<compile_context>
chip_gen: v7x
topology: tpu7x:2x2x1
jax: 0.10.2.dev20260603
libtpu: 0.0.44.dev20260713+nightly
codegen_flags: <defaults>
</compile_context>

<pallas_src>
import functools

import jax
import jax.numpy as jnp
import numpy as np
from jax import lax
from jax.experimental import pallas as pl
from jax.experimental.pallas import tpu as pltpu
from jax.experimental.pallas import tpu_sc as plsc

BATCH = 16384
WIDTH = 128
NROWS_PAD = 1320
NC, NS = 2, 16
NW = NC * NS
CH = 128
S_SC = 2048
RPW = S_SC * 4 // NW
NCH = RPW // CH
DBLK = 1024

_QSRC = (0, 2, 3, 1)
_QINV = (0, 3, 1, 2)


def _perm_tables():
    sig = np.zeros((4, 9), dtype=np.int64)
    for p in range(9):
        x, y = divmod(p, 3)
        sig[0, p] = p
        sig[1, p] = 3 * (2 - y) + x
        sig[2, p] = 8 - p
        sig[3, p] = 3 * y + (2 - x)
    inv = np.zeros_like(sig)
    for j in range(4):
        inv[j, sig[j]] = np.arange(9)
    return inv


_INV = _perm_tables()


def _static_m():
    m = np.zeros((NROWS_PAD, 46), np.float32)
    for j in range(4):
        base = 324 * j
        for ia in range(81):
            v = ia
            for t in range(4):
                d = v % 3
                v //= 3
                m[base + ia, 3 * _INV[j][t] + d] += 1
        for ib in range(243):
            v = ib
            for t in range(5):
                d = v % 3
                v //= 3
                m[base + 81 + ib, 3 * _INV[j][4 + t] + d] += 1
    for c in range(19):
        m[1296 + c, 27 + c] = 1
    return m


def _static_mw():
    mw = np.zeros((4, 92, 46), np.float32)
    for i in range(4):
        j = _QINV[i]
        for p in range(9):
            base = 3 * _INV[j][p]
            mw[j, 9 * i + p, base + 1] += 1
            mw[j, 9 * i + p, base] -= 1
            mw[j, 36 + 9 * i + p, base + 2] += 1
            mw[j, 36 + 9 * i + p, base] -= 1
    for j in range(4):
        for c in range(19):
            mw[j, 72 + c, 27 + c] = 1
        for p in range(9):
            mw[j, 91, 3 * p] += 1
    return mw


def _static_g():
    nb = S_SC // 32
    del nb
    gab = np.zeros((1152, 256), np.float32)
    gc = np.zeros((1152, 128), np.float32)
    for bl in range(32):
        for j in range(4):
            for t in range(4):
                gab[36 * bl + 9 * _QSRC[j] + t, 4 * bl + j] = 3 ** t
            for t in range(5):
                gab[36 * bl + 9 * _QSRC[j] + 4 + t, 128 + 4 * bl + j] = 3 ** t
            for e in range(36):
                gc[36 * bl + e, 4 * bl + j] = 1
    return gab, gc


_M = _static_m()
_MW = _static_mw()
_GAB, _GC = _static_g()


def _prep_body(m_ref, mw_ref, w_ref, t_ref, ew_ref):
    w = w_ref[...]
    t_ref[...] = jnp.dot(m_ref[...], w, preferred_element_type=jnp.float32)
    for j in range(4):
        ew_ref[:, 128 * j:128 * (j + 1)] = jnp.dot(
            mw_ref[j], w, preferred_element_type=jnp.float32)


def _idx_body(b2_ref, gab_ref, gc_ref, oa_ref, ob_ref, oc_ref):
    bf = b2_ref[...].astype(jnp.float32)
    nz = (b2_ref[...] != 0).astype(jnp.float32)
    sab = jnp.dot(bf, gab_ref[...], preferred_element_type=jnp.float32)
    scv = jnp.dot(nz, gc_ref[...],
                  preferred_element_type=jnp.float32).astype(jnp.int32)
    jlane = lax.broadcasted_iota(jnp.int32, oa_ref.shape, 1) % 4
    oa_ref[...] = sab[:, :128].astype(jnp.int32) + 324 * jlane
    ob_ref[...] = sab[:, 128:].astype(jnp.int32) + 324 * jlane + 81
    oc_ref[...] = jnp.where(scv < 19, 1296 + scv, 1315)


def _dense_body(b_ref, ew_ref, o_ref):
    blk = b_ref[...]
    x1 = (blk == 1).astype(jnp.float32)
    x2 = (blk == 2).astype(jnp.float32)
    cnt = jnp.sum((blk != 0).astype(jnp.int32), axis=1, keepdims=True)
    oh = (lax.broadcasted_iota(jnp.int32, (blk.shape[0], 19), 1)
          == cnt).astype(jnp.float32)
    one = jnp.ones((blk.shape[0], 1), jnp.float32)
    x = jnp.concatenate([x1, x2, oh, one], axis=1)
    for j in range(4):
        o_ref[:, j, :] = jnp.dot(x, ew_ref[:, 128 * j:128 * (j + 1)],
                                 preferred_element_type=jnp.float32)


def _sc_body(t_hbm, ia_hbm, ib_hbm, ic_hbm, out_hbm,
             ia_v, ib_v, ic_v, acc_v, t_sh,
             sem_i, sem_a, sem_bc, sem_o):
    cid = lax.axis_index("c")
    sid = lax.axis_index("s")
    wid = sid * NC + cid
    base = wid * RPW

    @pl.when(sid == 0)
    def _():
        pltpu.sync_copy(t_hbm, t_sh)

    plsc.subcore_barrier()

    def issue_i(ch):
        r0 = base + ch * CH
        return (
            pltpu.async_copy(ia_hbm.at[pl.ds(r0, CH)], ia_v.at[ch & 1], sem_i),
            pltpu.async_copy(ib_hbm.at[pl.ds(r0, CH)], ib_v.at[ch & 1], sem_i),
            pltpu.async_copy(ic_hbm.at[pl.ds(r0, CH)], ic_v.at[ch & 1], sem_i),
        )

    def issue_a(ch):
        return pltpu.async_copy(t_sh.at[ia_v.at[ch & 1]],
                                acc_v.at[ch % 3], sem_a)

    def issue_bc(ch):
        return (
            pltpu.async_copy(t_sh.at[ib_v.at[ch & 1]],
                             acc_v.at[ch % 3], sem_bc, add=True),
            pltpu.async_copy(t_sh.at[ic_v.at[ch & 1]],
                             acc_v.at[ch % 3], sem_bc, add=True),
        )

    def issue_o(ch):
        return pltpu.async_copy(acc_v.at[ch % 3],
                                out_hbm.at[pl.ds(base + ch * CH, CH)], sem_o)

    di = {0: issue_i(0)}
    for c in di.pop(0):
        c.wait()
    da = {0: issue_a(0)}
    dbc = {}
    do = {}
    for ch in range(NCH):
        if ch + 1 < NCH:
            di[ch + 1] = issue_i(ch + 1)
        da.pop(ch).wait()
        dbc[ch] = issue_bc(ch)
        if ch + 1 < NCH:
            for c in di.pop(ch + 1):
                c.wait()
            if ch >= 2:
                do.pop(ch - 2).wait()
            da[ch + 1] = issue_a(ch + 1)
        for c in dbc.pop(ch):
            c.wait()
        do[ch] = issue_o(ch)
    for ch in sorted(do):
        do[ch].wait()


@functools.lru_cache(maxsize=1)
def _make_sc_call():
    return pl.kernel(
        _sc_body,
        out_type=jax.ShapeDtypeStruct((S_SC * 4, WIDTH), jnp.float32),
        mesh=plsc.VectorSubcoreMesh(core_axis_name="c",
                                    subcore_axis_name="s"),
        scratch_types=[
            pltpu.VMEM((2, CH), jnp.int32),
            pltpu.VMEM((2, CH), jnp.int32),
            pltpu.VMEM((2, CH), jnp.int32),
            pltpu.VMEM((3, CH, WIDTH), jnp.float32),
            pltpu.VMEM_SHARED((NROWS_PAD, WIDTH), jnp.float32),
            pltpu.SemaphoreType.DMA,
            pltpu.SemaphoreType.DMA,
            pltpu.SemaphoreType.DMA,
            pltpu.SemaphoreType.DMA,
        ],
    )


def kernel(boards, w_quads, w_count):
    batch = boards.shape[0]
    bflat = boards.reshape(batch, 36)
    w_cat = jnp.concatenate([w_quads, w_count], axis=0)

    table, ew = pl.pallas_call(
        _prep_body,
        out_shape=[
            jax.ShapeDtypeStruct((NROWS_PAD, WIDTH), jnp.float32),
            jax.ShapeDtypeStruct((92, 512), jnp.float32),
        ],
    )(jnp.asarray(_M), jnp.asarray(_MW), w_cat)

    nrs = S_SC // 32
    boards2s = bflat[:S_SC].reshape(nrs, 32 * 36)
    shp = jax.ShapeDtypeStruct((nrs, 128), jnp.int32)
    ia, ib, ic = pl.pallas_call(
        _idx_body,
        out_shape=[shp, shp, shp],
    )(boards2s, jnp.asarray(_GAB), jnp.asarray(_GC))

    sc_out = _make_sc_call()(table, ia.reshape(-1), ib.reshape(-1),
                             ic.reshape(-1))

    off = S_SC // DBLK
    tc_out = pl.pallas_call(
        _dense_body,
        grid=((batch - S_SC) // DBLK,),
        in_specs=[
            pl.BlockSpec((DBLK, 36), lambda i, o=off: (i + o, 0)),
            pl.BlockSpec((92, 512), lambda i: (0, 0)),
        ],
        out_specs=pl.BlockSpec((DBLK, 4, WIDTH), lambda i, o=off: (i + o, 0, 0)),
        out_shape=jax.ShapeDtypeStruct((batch, 4, WIDTH), jnp.float32),
    )(bflat, ew)

    return lax.dynamic_update_slice(
        tc_out, sc_out.reshape(S_SC, 4, WIDTH), (0, 0, 0))

# --- scband reference (transcript-rebuilt; emitter-appended) ---
"""Pipeline reference for scband-embed-75574244540700 (READ-ONLY COPY).

The authoritative reference and input builder live on the scoring server;
editing this copy changes nothing except your own understanding.
"""

import jax, jax.numpy as jnp
import numpy as np

BATCH = 16384
WIDTH = 128


def setup_inputs(seed: int = 0) -> dict:
    key = jax.random.key(seed)
    k1, k2, k3 = jax.random.split(key, 3)
    boards = jax.random.randint(k1, (BATCH, 4, 9), 0, 3, dtype=jnp.int32)
    scale = 1.0 / np.sqrt(9 + 1)
    w_quads = jax.random.normal(k2, (9 * 3, WIDTH), dtype=jnp.float32) * scale
    w_count = jax.random.normal(k3, (19, WIDTH), dtype=jnp.float32) * scale
    return {"boards": boards, "w_quads": w_quads, "w_count": w_count}


def reference(boards, w_quads, w_count):
    batch = boards.shape[0]
    width = w_quads.shape[1]
    q = boards.swapaxes(0, 1)
    q0, q1, q2, q3 = q[0], q[1], q[2], q[3]
    q1 = q1.reshape(batch, 3, 3).swapaxes(1, 2)[:, ::-1, :].reshape(batch, 9)
    q2 = q2.reshape(batch, 3, 3)[:, ::-1, :].swapaxes(1, 2).reshape(batch, 9)
    q3 = q3[:, ::-1]
    rotated = jnp.stack([q0, q2, q3, q1], axis=1)
    count = (rotated.reshape(batch, 4 * 9) != 0).astype(jnp.int32).sum(axis=-1)
    x = jax.nn.one_hot(rotated, 3).reshape(batch, 4, 9 * 3) @ w_quads
    x = x + (jax.nn.one_hot(count, 19) @ w_count)[:, None, :]
    assert x.shape == (batch, 4, width)
    return x

if __name__ == "__main__":
    import jax
    _d = setup_inputs()
    print(jax.jit(kernel)(*tuple(_d.values())))

</pallas_src>

<mosaic_0001>
#map = affine_map<(d0, d1) -> (0, 0)>
#map1 = affine_map<(d0, d1) -> (0)>
module attributes {stable_mosaic.version = 14 : i64} {
  func.func @_sc_body(%arg0: i32, %arg1: i32, %arg2: memref<1320x128xf32, #tpu.memory_space<hbm>>, %arg3: memref<8192xi32, #tpu.memory_space<hbm>>, %arg4: memref<8192xi32, #tpu.memory_space<hbm>>, %arg5: memref<8192xi32, #tpu.memory_space<hbm>>, %arg6: memref<8192x128xf32, #tpu.memory_space<hbm>>, %arg7: memref<2x128xi32, #tpu.memory_space<vmem>>, %arg8: memref<2x128xi32, #tpu.memory_space<vmem>>, %arg9: memref<2x128xi32, #tpu.memory_space<vmem>>, %arg10: memref<3x128x128xf32, #tpu.memory_space<vmem>>, %arg11: memref<1320x128xf32, #tpu.memory_space<vmem_shared>>, %arg12: memref<!tpu.dma_semaphore, #tpu.memory_space<semaphore_mem>>, %arg13: memref<!tpu.dma_semaphore, #tpu.memory_space<semaphore_mem>>, %arg14: memref<!tpu.dma_semaphore, #tpu.memory_space<semaphore_mem>>, %arg15: memref<!tpu.dma_semaphore, #tpu.memory_space<semaphore_mem>>) attributes {dimension_semantics = [#tpu.dimension_semantics<core_parallel>, #tpu.dimension_semantics<subcore_parallel>], iteration_bounds = array<i64: 2, 16>, scalar_prefetch = 0 : i64, scratch_operands = 9 : i64, tpu.core_type = #tpu.core_type<sc_vector_subcore>, window_params = [{transform_indices = #map}, {transform_indices = #map1}, {transform_indices = #map1}, {transform_indices = #map1}, {transform_indices = #map}]} {
    %mul3A = arith.constant 2 : i32
    %mul3A_0 = arith.muli %arg1, %mul3A : i32
    %add3A = arith.addi %mul3A_0, %arg0 : i32
    %mul3A_1 = arith.constant 256 : i32
    %mul3A_2 = arith.muli %add3A, %mul3A_1 : i32
    %eq3A = arith.constant 0 : i32
    %eq3A_3 = arith.cmpi eq, %arg1, %eq3A : i32
    %convert_element_type3A = arith.extui %eq3A_3 : i1 to i32
    %cond3A = arith.constant 0 : i32
    %cond3A_4 = arith.cmpi ne, %convert_element_type3A, %cond3A : i32
    scf.if %cond3A_4 {
      "tpu.region"() ({
        %run_scoped3A = tpu.sem_alloc : memref<!tpu.dma_semaphore, #tpu.memory_space<semaphore_mem>>
        tpu.enqueue_dma source(%arg2 : memref<1320x128xf32, #tpu.memory_space<hbm>>) target(%arg11 : memref<1320x128xf32, #tpu.memory_space<vmem_shared>>) target_semaphore(%run_scoped3A : memref<!tpu.dma_semaphore, #tpu.memory_space<semaphore_mem>>)
        tpu.wait_dma2 semaphore(%run_scoped3A : memref<!tpu.dma_semaphore, #tpu.memory_space<semaphore_mem>>) src(%arg2 : memref<1320x128xf32, #tpu.memory_space<hbm>>) dst(%arg11 : memref<1320x128xf32, #tpu.memory_space<vmem_shared>>)
        tpu.yield
      }) : () -> ()
    } else {
    }
    %barrier3A = arith.constant 0 : index
    tpu.barrier barrier_id(%barrier3A)
    %add3A_5 = arith.constant 0 : i32
    %add3A_6 = arith.addi %mul3A_2, %add3A_5 : i32
    %dma_start3A = arith.constant 0 : i32
    %dma_start3A_7 = arith.constant 0 : i32
    %dma_start3A_8 = tpu.memref_slice %arg7[%dma_start3A, %dma_start3A_7] : memref<2x128xi32, #tpu.memory_space<vmem>> -> memref<1x128xi32, #tpu.memory_space<vmem>>
    %dma_start3A_9 = tpu.memref_squeeze %dma_start3A_8 : memref<1x128xi32, #tpu.memory_space<vmem>> -> memref<128xi32, #tpu.memory_space<vmem>>
    %dma_start3A_10 = tpu.memref_slice %arg3[%add3A_6] : memref<8192xi32, #tpu.memory_space<hbm>> -> memref<128xi32, #tpu.memory_space<hbm>>
    %dma_start3A_11 = arith.constant 0 : i32
    %dma_start3A_12 = tpu.memref_slice %arg7[%dma_start3A, %dma_start3A_11] : memref<2x128xi32, #tpu.memory_space<vmem>> -> memref<1x128xi32, #tpu.memory_space<vmem>>
    %dma_start3A_13 = tpu.memref_squeeze %dma_start3A_12 : memref<1x128xi32, #tpu.memory_space<vmem>> -> memref<128xi32, #tpu.memory_space<vmem>>
    %dma_start3A_14 = tpu.memref_slice %arg3[%add3A_6] : memref<8192xi32, #tpu.memory_space<hbm>> -> memref<128xi32, #tpu.memory_space<hbm>>
    tpu.enqueue_dma source(%dma_start3A_14 : memref<128xi32, #tpu.memory_space<hbm>>) target(%dma_start3A_13 : memref<128xi32, #tpu.memory_space<vmem>>) target_semaphore(%arg12 : memref<!tpu.dma_semaphore, #tpu.memory_space<semaphore_mem>>)
    %dma_start3A_15 = arith.constant 0 : i32
    %dma_start3A_16 = arith.constant 0 : i32
    %dma_start3A_17 = tpu.memref_slice %arg8[%dma_start3A_15, %dma_start3A_16] : memref<2x128xi32, #tpu.memory_space<vmem>> -> memref<1x128xi32, #tpu.memory_space<vmem>>
    %dma_start3A_18 = tpu.memref_squeeze %dma_start3A_17 : memref<1x128xi32, #tpu.memory_space<vmem>> -> memref<128xi32, #tpu.memory_space<vmem>>
    %dma_start3A_19 = tpu.memref_slice %arg4[%add3A_6] : memref<8192xi32, #tpu.memory_space<hbm>> -> memref<128xi32, #tpu.memory_space<hbm>>
    %dma_start3A_20 = arith.constant 0 : i32
    %dma_start3A_21 = tpu.memref_slice %arg8[%dma_start3A_15, %dma_start3A_20] : memref<2x128xi32, #tpu.memory_space<vmem>> -> memref<1x128xi32, #tpu.memory_space<vmem>>
    %dma_start3A_22 = tpu.memref_squeeze %dma_start3A_21 : memref<1x128xi32, #tpu.memory_space<vmem>> -> memref<128xi32, #tpu.memory_space<vmem>>
    %dma_start3A_23 = tpu.memref_slice %arg4[%add3A_6] : memref<8192xi32, #tpu.memory_space<hbm>> -> memref<128xi32, #tpu.memory_space<hbm>>
    tpu.enqueue_dma source(%dma_start3A_23 : memref<128xi32, #tpu.memory_space<hbm>>) target(%dma_start3A_22 : memref<128xi32, #tpu.memory_space<vmem>>) target_semaphore(%arg12 : memref<!tpu.dma_semaphore, #tpu.memory_space<semaphore_mem>>)
    %dma_start3A_24 = arith.constant 0 : i32
    %dma_start3A_25 = arith.constant 0 : i32
    %dma_start3A_26 = tpu.memref_slice %arg9[%dma_start3A_24, %dma_start3A_25] : memref<2x128xi32, #tpu.memory_space<vmem>> -> memref<1x128xi32, #tpu.memory_space<vmem>>
    %dma_start3A_27 = tpu.memref_squeeze %dma_start3A_26 : memref<1x128xi32, #tpu.memory_space<vmem>> -> memref<128xi32, #tpu.memory_space<vmem>>
    %dma_start3A_28 = tpu.memref_slice %arg5[%add3A_6] : memref<8192xi32, #tpu.memory_space<hbm>> -> memref<128xi32, #tpu.memory_space<hbm>>
    %dma_start3A_29 = arith.constant 0 : i32
    %dma_start3A_30 = tpu.memref_slice %arg9[%dma_start3A_24, %dma_start3A_29] : memref<2x128xi32, #tpu.memory_space<vmem>> -> memref<1x128xi32, #tpu.memory_space<vmem>>
    %dma_start3A_31 = tpu.memref_squeeze %dma_start3A_30 : memref<1x128xi32, #tpu.memory_space<vmem>> -> memref<128xi32, #tpu.memory_space<vmem>>
    %dma_start3A_32 = tpu.memref_slice %arg5[%add3A_6] : memref<8192xi32, #tpu.memory_space<hbm>> -> memref<128xi32, #tpu.memory_space<hbm>>
    tpu.enqueue_dma source(%dma_start3A_32 : memref<128xi32, #tpu.memory_space<hbm>>) target(%dma_start3A_31 : memref<128xi32, #tpu.memory_space<vmem>>) target_semaphore(%arg12 : memref<!tpu.dma_semaphore, #tpu.memory_space<semaphore_mem>>)
    %dma_wait3A = arith.constant 0 : i32
    %dma_wait3A_33 = arith.constant 0 : i32
    %dma_wait3A_34 = tpu.memref_slice %arg7[%dma_wait3A, %dma_wait3A_33] : memref<2x128xi32, #tpu.memory_space<vmem>> -> memref<1x128xi32, #tpu.memory_space<vmem>>
    %dma_wait3A_35 = tpu.memref_squeeze %dma_wait3A_34 : memref<1x128xi32, #tpu.memory_space<vmem>> -> memref<128xi32, #tpu.memory_space<vmem>>
    %dma_wait3A_36 = tpu.memref_slice %arg3[%add3A_6] : memref<8192xi32, #tpu.memory_space<hbm>> -> memref<128xi32, #tpu.memory_space<hbm>>
    %dma_wait3A_37 = arith.constant 0 : i32
    %dma_wait3A_38 = tpu.memref_slice %arg7[%dma_wait3A, %dma_wait3A_37] : memref<2x128xi32, #tpu.memory_space<vmem>> -> memref<1x128xi32, #tpu.memory_space<vmem>>
    %dma_wait3A_39 = tpu.memref_squeeze %dma_wait3A_38 : memref<1x128xi32, #tpu.memory_space<vmem>> -> memref<128xi32, #tpu.memory_space<vmem>>
    %dma_wait3A_40 = tpu.memref_slice %arg3[%add3A_6] : memref<8192xi32, #tpu.memory_space<hbm>> -> memref<128xi32, #tpu.memory_space<hbm>>
    tpu.wait_dma2 semaphore(%arg12 : memref<!tpu.dma_semaphore, #tpu.memory_space<semaphore_mem>>) src(%dma_wait3A_40 : memref<128xi32, #tpu.memory_space<hbm>>) dst(%dma_wait3A_39 : memref<128xi32, #tpu.memory_space<vmem>>)
    %dma_wait3A_41 = arith.constant 0 : i32
    %dma_wait3A_42 = arith.constant 0 : i32
    %dma_wait3A_43 = tpu.memref_slice %arg8[%dma_wait3A_41, %dma_wait3A_42] : memref<2x128xi32, #tpu.memory_space<vmem>> -> memref<1x128xi32, #tpu.memory_space<vmem>>
    %dma_wait3A_44 = tpu.memref_squeeze %dma_wait3A_43 : memref<1x128xi32, #tpu.memory_space<vmem>> -> memref<128xi32, #tpu.memory_space<vmem>>
    %dma_wait3A_45 = tpu.memref_slice %arg4[%add3A_6] : memref<8192xi32, #tpu.memory_space<hbm>> -> memref<128xi32, #tpu.memory_space<hbm>>
    %dma_wait3A_46 = arith.constant 0 : i32
    %dma_wait3A_47 = tpu.memref_slice %arg8[%dma_wait3A_41, %dma_wait3A_46] : memref<2x128xi32, #tpu.memory_space<vmem>> -> memref<1x128xi32, #tpu.memory_space<vmem>>
    %dma_wait3A_48 = tpu.memref_squeeze %dma_wait3A_47 : memref<1x128xi32, #tpu.memory_space<vmem>> -> memref<128xi32, #tpu.memory_space<vmem>>
    %dma_wait3A_49 = tpu.memref_slice %arg4[%add3A_6] : memref<8192xi32, #tpu.memory_space<hbm>> -> memref<128xi32, #tpu.memory_space<hbm>>
    tpu.wait_dma2 semaphore(%arg12 : memref<!tpu.dma_semaphore, #tpu.memory_space<semaphore_mem>>) src(%dma_wait3A_49 : memref<128xi32, #tpu.memory_space<hbm>>) dst(%dma_wait3A_48 : memref<128xi32, #tpu.memory_space<vmem>>)
    %dma_wait3A_50 = arith.constant 0 : i32
    %dma_wait3A_51 = arith.constant 0 : i32
    %dma_wait3A_52 = tpu.memref_slice %arg9[%dma_wait3A_50, %dma_wait3A_51] : memref<2x128xi32, #tpu.memory_space<vmem>> -> memref<1x128xi32, #tpu.memory_space<vmem>>
    %dma_wait3A_53 = tpu.memref_squeeze %dma_wait3A_52 : memref<1x128xi32, #tpu.memory_space<vmem>> -> memref<128xi32, #tpu.memory_space<vmem>>
    %dma_wait3A_54 = tpu.memref_slice %arg5[%add3A_6] : memref<8192xi32, #tpu.memory_space<hbm>> -> memref<128xi32, #tpu.memory_space<hbm>>
    %dma_wait3A_55 = arith.constant 0 : i32
    %dma_wait3A_56 = tpu.memref_slice %arg9[%dma_wait3A_50, %dma_wait3A_55] : memref<2x128xi32, #tpu.memory_space<vmem>> -> memref<1x128xi32, #tpu.memory_space<vmem>>
    %dma_wait3A_57 = tpu.memref_squeeze %dma_wait3A_56 : memref<1x128xi32, #tpu.memory_space<vmem>> -> memref<128xi32, #tpu.memory_space<vmem>>
    %dma_wait3A_58 = tpu.memref_slice %arg5[%add3A_6] : memref<8192xi32, #tpu.memory_space<hbm>> -> memref<128xi32, #tpu.memory_space<hbm>>
    tpu.wait_dma2 semaphore(%arg12 : memref<!tpu.dma_semaphore, #tpu.memory_space<semaphore_mem>>) src(%dma_wait3A_58 : memref<128xi32, #tpu.memory_space<hbm>>) dst(%dma_wait3A_57 : memref<128xi32, #tpu.memory_space<vmem>>)
    %dma_start3A_59 = arith.constant 0 : i32
    %dma_start3A_60 = arith.constant 0 : i32
    %dma_start3A_61 = arith.constant 0 : i32
    %dma_start3A_62 = arith.constant 0 : i32
    %dma_start3A_63 = tpu.memref_slice %arg10[%dma_start3A_60, %dma_start3A_61, %dma_start3A_62] : memref<3x128x128xf32, #tpu.memory_space<vmem>> -> memref<1x128x128xf32, #tpu.memory_space<vmem>>
    %dma_start3A_64 = tpu.memref_squeeze %dma_start3A_63 : memref<1x128x128xf32, #tpu.memory_space<vmem>> -> memref<128x128xf32, #tpu.memory_space<vmem>>
    %dma_start3A_65 = arith.constant 0 : i32
    %dma_start3A_66 = tpu.memref_slice %arg7[%dma_start3A_59, %dma_start3A_65] : memref<2x128xi32, #tpu.memory_space<vmem>> -> memref<1x128xi32, #tpu.memory_space<vmem>>
    %dma_start3A_67 = tpu.memref_squeeze %dma_start3A_66 : memref<1x128xi32, #tpu.memory_space<vmem>> -> memref<128xi32, #tpu.memory_space<vmem>>
    %dma_start3A_68 = arith.constant 0 : i32
    %dma_start3A_69 = arith.constant 0 : i32
    %dma_start3A_70 = tpu.memref_slice %arg11[%dma_start3A_68, %dma_start3A_69] : memref<1320x128xf32, #tpu.memory_space<vmem_shared>> -> memref<1320x128xf32, #tpu.memory_space<vmem_shared>>
    tpu.enqueue_indirect_dma source(%dma_start3A_70 : memref<1320x128xf32, #tpu.memory_space<vmem_shared>>) target(%dma_start3A_64 : memref<128x128xf32, #tpu.memory_space<vmem>>) offsets(%dma_start3A_67 : memref<128xi32, #tpu.memory_space<vmem>>) semaphore(%arg13 : memref<!tpu.dma_semaphore, #tpu.memory_space<semaphore_mem>>)
    %add3A_71 = arith.constant 128 : i32
    %add3A_72 = arith.addi %mul3A_2, %add3A_71 : i32
    %dma_start3A_73 = arith.constant 1 : i32
    %dma_start3A_74 = arith.constant 0 : i32
    %dma_start3A_75 = tpu.memref_slice %arg7[%dma_start3A_73, %dma_start3A_74] : memref<2x128xi32, #tpu.memory_space<vmem>> -> memref<1x128xi32, #tpu.memory_space<vmem>>
    %dma_start3A_76 = tpu.memref_squeeze %dma_start3A_75 : memref<1x128xi32, #tpu.memory_space<vmem>> -> memref<128xi32, #tpu.memory_space<vmem>>
    %dma_start3A_77 = tpu.memref_slice %arg3[%add3A_72] : memref<8192xi32, #tpu.memory_space<hbm>> -> memref<128xi32, #tpu.memory_space<hbm>>
    %dma_start3A_78 = arith.constant 0 : i32
    %dma_start3A_79 = tpu.memref_slice %arg7[%dma_start3A_73, %dma_start3A_78] : memref<2x128xi32, #tpu.memory_space<vmem>> -> memref<1x128xi32, #tpu.memory_space<vmem>>
    %dma_start3A_80 = tpu.memref_squeeze %dma_start3A_79 : memref<1x128xi32, #tpu.memory_space<vmem>> -> memref<128xi32, #tpu.memory_space<vmem>>
    %dma_start3A_81 = tpu.memref_slice %arg3[%add3A_72] : memref<8192xi32, #tpu.memory_space<hbm>> -> memref<128xi32, #tpu.memory_space<hbm>>
    tpu.enqueue_dma source(%dma_start3A_81 : memref<128xi32, #tpu.memory_space<hbm>>) target(%dma_start3A_80 : memref<128xi32, #tpu.memory_space<vmem>>) target_semaphore(%arg12 : memref<!tpu.dma_semaphore, #tpu.memory_space<semaphore_mem>>)
    %dma_start3A_82 = arith.constant 1 : i32
    %dma_start3A_83 = arith.constant 0 : i32
    %dma_start3A_84 = tpu.memref_slice %arg8[%dma_start3A_82, %dma_start3A_83] : memref<2x128xi32, #tpu.memory_space<vmem>> -> memref<1x128xi32, #tpu.memory_space<vmem>>
    %dma_start3A_85 = tpu.memref_squeeze %dma_start3A_84 : memref<1x128xi32, #tpu.memory_space<vmem>> -> memref<128xi32, #tpu.memory_space<vmem>>
    %dma_start3A_86 = tpu.memref_slice %arg4[%add3A_72] : memref<8192xi32, #tpu.memory_space<hbm>> -> memref<128xi32, #tpu.memory_space<hbm>>
    %dma_start3A_87 = arith.constant 0 : i32
    %dma_start3A_88 = tpu.memref_slice %arg8[%dma_start3A_82, %dma_start3A_87] : memref<2x128xi32, #tpu.memory_space<vmem>> -> memref<1x128xi32, #tpu.memory_space<vmem>>
    %dma_start3A_89 = tpu.memref_squeeze %dma_start3A_88 : memref<1x128xi32, #tpu.memory_space<vmem>> -> memref<128xi32, #tpu.memory_space<vmem>>
    %dma_start3A_90 = tpu.memref_slice %arg4[%add3A_72] : memref<8192xi32, #tpu.memory_space<hbm>> -> memref<128xi32, #tpu.memory_space<hbm>>
    tpu.enqueue_dma source(%dma_start3A_90 : memref<128xi32, #tpu.memory_space<hbm>>) target(%dma_start3A_89 : memref<128xi32, #tpu.memory_space<vmem>>) target_semaphore(%arg12 : memref<!tpu.dma_semaphore, #tpu.memory_space<semaphore_mem>>)
    %dma_start3A_91 = arith.constant 1 : i32
    %dma_start3A_92 = arith.constant 0 : i32
    %dma_start3A_93 = tpu.memref_slice %arg9[%dma_start3A_91, %dma_start3A_92] : memref<2x128xi32, #tpu.memory_space<vmem>> -> memref<1x128xi32, #tpu.memory_space<vmem>>
    %dma_start3A_94 = tpu.memref_squeeze %dma_start3A_93 : memref<1x128xi32, #tpu.memory_space<vmem>> -> memref<128xi32, #tpu.memory_space<vmem>>
    %dma_start3A_95 = tpu.memref_slice %arg5[%add3A_72] : memref<8192xi32, #tpu.memory_space<hbm>> -> memref<128xi32, #tpu.memory_space<hbm>>
    %dma_start3A_96 = arith.constant 0 : i32
    %dma_start3A_97 = tpu.memref_slice %arg9[%dma_start3A_91, %dma_start3A_96] : memref<2x128xi32, #tpu.memory_space<vmem>> -> memref<1x128xi32, #tpu.memory_space<vmem>>
    %dma_start3A_98 = tpu.memref_squeeze %dma_start3A_97 : memref<1x128xi32, #tpu.memory_space<vmem>> -> memref<128xi32, #tpu.memory_space<vmem>>
    %dma_start3A_99 = tpu.memref_slice %arg5[%add3A_72] : memref<8192xi32, #tpu.memory_space<hbm>> -> memref<128xi32, #tpu.memory_space<hbm>>
    tpu.enqueue_dma source(%dma_start3A_99 : memref<128xi32, #tpu.memory_space<hbm>>) target(%dma_start3A_98 : memref<128xi32, #tpu.memory_space<vmem>>) target_semaphore(%arg12 : memref<!tpu.dma_semaphore, #tpu.memory_space<semaphore_mem>>)
    %dma_wait3A_100 = arith.constant 0 : i32
    %dma_wait3A_101 = arith.constant 0 : i32
    %dma_wait3A_102 = arith.constant 0 : i32
    %dma_wait3A_103 = arith.constant 0 : i32
    %dma_wait3A_104 = tpu.memref_slice %arg10[%dma_wait3A_101, %dma_wait3A_102, %dma_wait3A_103] : memref<3x128x128xf32, #tpu.memory_space<vmem>> -> memref<1x128x128xf32, #tpu.memory_space<vmem>>
    %dma_wait3A_105 = tpu.memref_squeeze %dma_wait3A_104 : memref<1x128x128xf32, #tpu.memory_space<vmem>> -> memref<128x128xf32, #tpu.memory_space<vmem>>
    %dma_wait3A_106 = arith.constant 0 : i32
    %dma_wait3A_107 = tpu.memref_slice %arg7[%dma_wait3A_100, %dma_wait3A_106] : memref<2x128xi32, #tpu.memory_space<vmem>> -> memref<1x128xi32, #tpu.memory_space<vmem>>
    %dma_wait3A_108 = tpu.memref_squeeze %dma_wait3A_107 : memref<1x128xi32, #tpu.memory_space<vmem>> -> memref<128xi32, #tpu.memory_space<vmem>>
    %dma_wait3A_109 = arith.constant 0 : i32
    %dma_wait3A_110 = arith.constant 0 : i32
    %dma_wait3A_111 = tpu.memref_slice %arg11[%dma_wait3A_109, %dma_wait3A_110] : memref<1320x128xf32, #tpu.memory_space<vmem_shared>> -> memref<1320x128xf32, #tpu.memory_space<vmem_shared>>
    tpu.wait_indirect_dma semaphore(%arg13 : memref<!tpu.dma_semaphore, #tpu.memory_space<semaphore_mem>>) src(%dma_wait3A_111 : memref<1320x128xf32, #tpu.memory_space<vmem_shared>>) dst(%dma_wait3A_105 : memref<128x128xf32, #tpu.memory_space<vmem>>)
    %dma_start3A_112 = arith.constant 0 : i32
    %dma_start3A_113 = arith.constant 0 : i32
    %dma_start3A_114 = arith.constant 0 : i32
    %dma_start3A_115 = arith.constant 0 : i32
    %dma_start3A_116 = tpu.memref_slice %arg10[%dma_start3A_113, %dma_start3A_114, %dma_start3A_115] : memref<3x128x128xf32, #tpu.memory_space<vmem>> -> memref<1x128x128xf32, #tpu.memory_space<vmem>>
    %dma_start3A_117 = tpu.memref_squeeze %dma_start3A_116 : memref<1x128x128xf32, #tpu.memory_space<vmem>> -> memref<128x128xf32, #tpu.memory_space<vmem>>
    %dma_start3A_118 = arith.constant 0 : i32
    %dma_start3A_119 = tpu.memref_slice %arg8[%dma_start3A_112, %dma_start3A_118] : memref<2x128xi32, #tpu.memory_space<vmem>> -> memref<1x128xi32, #tpu.memory_space<vmem>>
    %dma_start3A_120 = tpu.memref_squeeze %dma_start3A_119 : memref<1x128xi32, #tpu.memory_space<vmem>> -> memref<128xi32, #tpu.memory_space<vmem>>
    %dma_start3A_121 = arith.constant 0 : i32
    %dma_start3A_122 = arith.constant 0 : i32
    %dma_start3A_123 = tpu.memref_slice %arg11[%dma_start3A_121, %dma_start3A_122] : memref<1320x128xf32, #tpu.memory_space<vmem_shared>> -> memref<1320x128xf32, #tpu.memory_space<vmem_shared>>
    tpu.enqueue_indirect_dma source(%dma_start3A_123 : memref<1320x128xf32, #tpu.memory_space<vmem_shared>>) target(%dma_start3A_117 : memref<128x128xf32, #tpu.memory_space<vmem>>) offsets(%dma_start3A_120 : memref<128xi32, #tpu.memory_space<vmem>>) semaphore(%arg14 : memref<!tpu.dma_semaphore, #tpu.memory_space<semaphore_mem>>) {add = true}
    %dma_start3A_124 = arith.constant 0 : i32
    %dma_start3A_125 = arith.constant 0 : i32
    %dma_start3A_126 = arith.constant 0 : i32
    %dma_start3A_127 = arith.constant 0 : i32
    %dma_start3A_128 = tpu.memref_slice %arg10[%dma_start3A_125, %dma_start3A_126, %dma_start3A_127] : memref<3x128x128xf32, #tpu.memory_space<vmem>> -> memref<1x128x128xf32, #tpu.memory_space<vmem>>
    %dma_start3A_129 = tpu.memref_squeeze %dma_start3A_128 : memref<1x128x128xf32, #tpu.memory_space<vmem>> -> memref<128x128xf32, #tpu.memory_space<vmem>>
    %dma_start3A_130 = arith.constant 0 : i32
    %dma_start3A_131 = tpu.memref_slice %arg9[%dma_start3A_124, %dma_start3A_130] : memref<2x128xi32, #tpu.memory_space<vmem>> -> memref<1x128xi32, #tpu.memory_space<vmem>>
    %dma_start3A_132 = tpu.memref_squeeze %dma_start3A_131 : memref<1x128xi32, #tpu.memory_space<vmem>> -> memref<128xi32, #tpu.memory_space<vmem>>
    %dma_start3A_133 = arith.constant 0 : i32
    %dma_start3A_134 = arith.constant 0 : i32
    %dma_start3A_135 = tpu.memref_slice %arg11[%dma_start3A_133, %dma_start3A_134] : memref<1320x128xf32, #tpu.memory_space<vmem_shared>> -> memref<1320x128xf32, #tpu.memory_space<vmem_shared>>
    tpu.enqueue_indirect_dma source(%dma_start3A_135 : memref<1320x128xf32, #tpu.memory_space<vmem_shared>>) target(%dma_start3A_129 : memref<128x128xf32, #tpu.memory_space<vmem>>) offsets(%dma_start3A_132 : memref<128xi32, #tpu.memory_space<vmem>>) semaphore(%arg14 : memref<!tpu.dma_semaphore, #tpu.memory_space<semaphore_mem>>) {add = true}
    %dma_wait3A_136 = arith.constant 1 : i32
    %dma_wait3A_137 = arith.constant 0 : i32
    %dma_wait3A_138 = tpu.memref_slice %arg7[%dma_wait3A_136, %dma_wait3A_137] : memref<2x128xi32, #tpu.memory_space<vmem>> -> memref<1x128xi32, #tpu.memory_space<vmem>>
    %dma_wait3A_139 = tpu.memref_squeeze %dma_wait3A_138 : memref<1x128xi32, #tpu.memory_space<vmem>> -> memref<128xi32, #tpu.memory_space<vmem>>
    %dma_wait3A_140 = tpu.memref_slice %arg3[%add3A_72] : memref<8192xi32, #tpu.memory_space<hbm>> -> memref<128xi32, #tpu.memory_space<hbm>>
    %dma_wait3A_141 = arith.constant 0 : i32
    %dma_wait3A_142 = tpu.memref_slice %arg7[%dma_wait3A_136, %dma_wait3A_141] : memref<2x128xi32, #tpu.memory_space<vmem>> -> memref<1x128xi32, #tpu.memory_space<vmem>>
    %dma_wait3A_143 = tpu.memref_squeeze %dma_wait3A_142 : memref<1x128xi32, #tpu.memory_space<vmem>> -> memref<128xi32, #tpu.memory_space<vmem>>
    %dma_wait3A_144 = tpu.memref_slice %arg3[%add3A_72] : memref<8192xi32, #tpu.memory_space<hbm>> -> memref<128xi32, #tpu.memory_space<hbm>>
    tpu.wait_dma2 semaphore(%arg12 : memref<!tpu.dma_semaphore, #tpu.memory_space<semaphore_mem>>) src(%dma_wait3A_144 : memref<128xi32, #tpu.memory_space<hbm>>) dst(%dma_wait3A_143 : memref<128xi32, #tpu.memory_space<vmem>>)
    %dma_wait3A_145 = arith.constant 1 : i32
    %dma_wait3A_146 = arith.constant 0 : i32
    %dma_wait3A_147 = tpu.memref_slice %arg8[%dma_wait3A_145, %dma_wait3A_146] : memref<2x128xi32, #tpu.memory_space<vmem>> -> memref<1x128xi32, #tpu.memory_space<vmem>>
    %dma_wait3A_148 = tpu.memref_squeeze %dma_wait3A_147 : memref<1x128xi32, #tpu.memory_space<vmem>> -> memref<128xi32, #tpu.memory_space<vmem>>
    %dma_wait3A_149 = tpu.memref_slice %arg4[%add3A_72] : memref<8192xi32, #tpu.memory_space<hbm>> -> memref<128xi32, #tpu.memory_space<hbm>>
    %dma_wait3A_150 = arith.constant 0 : i32
    %dma_wait3A_151 = tpu.memref_slice %arg8[%dma_wait3A_145, %dma_wait3A_150] : memref<2x128xi32, #tpu.memory_space<vmem>> -> memref<1x128xi32, #tpu.memory_space<vmem>>
    %dma_wait3A_152 = tpu.memref_squeeze %dma_wait3A_151 : memref<1x128xi32, #tpu.memory_space<vmem>> -> memref<128xi32, #tpu.memory_space<vmem>>
    %dma_wait3A_153 = tpu.memref_slice %arg4[%add3A_72] : memref<8192xi32, #tpu.memory_space<hbm>> -> memref<128xi32, #tpu.memory_space<hbm>>
    tpu.wait_dma2 semaphore(%arg12 : memref<!tpu.dma_semaphore, #tpu.memory_space<semaphore_mem>>) src(%dma_wait3A_153 : memref<128xi32, #tpu.memory_space<hbm>>) dst(%dma_wait3A_152 : memref<128xi32, #tpu.memory_space<vmem>>)
    %dma_wait3A_154 = arith.constant 1 : i32
    %dma_wait3A_155 = arith.constant 0 : i32
    %dma_wait3A_156 = tpu.memref_slice %arg9[%dma_wait3A_154, %dma_wait3A_155] : memref<2x128xi32, #tpu.memory_space<vmem>> -> memref<1x128xi32, #tpu.memory_space<vmem>>
    %dma_wait3A_157 = tpu.memref_squeeze %dma_wait3A_156 : memref<1x128xi32, #tpu.memory_space<vmem>> -> memref<128xi32, #tpu.memory_space<vmem>>
    %dma_wait3A_158 = tpu.memref_slice %arg5[%add3A_72] : memref<8192xi32, #tpu.memory_space<hbm>> -> memref<128xi32, #tpu.memory_space<hbm>>
    %dma_wait3A_159 = arith.constant 0 : i32
    %dma_wait3A_160 = tpu.memref_slice %arg9[%dma_wait3A_154, %dma_wait3A_159] : memref<2x128xi32, #tpu.memory_space<vmem>> -> memref<1x128xi32, #tpu.memory_space<vmem>>
    %dma_wait3A_161 = tpu.memref_squeeze %dma_wait3A_160 : memref<1x128xi32, #tpu.memory_space<vmem>> -> memref<128xi32, #tpu.memory_space<vmem>>
    %dma_wait3A_162 = tpu.memref_slice %arg5[%add3A_72] : memref<8192xi32, #tpu.memory_space<hbm>> -> memref<128xi32, #tpu.memory_space<hbm>>
    tpu.wait_dma2 semaphore(%arg12 : memref<!tpu.dma_semaphore, #tpu.memory_space<semaphore_mem>>) src(%dma_wait3A_162 : memref<128xi32, #tpu.memory_space<hbm>>) dst(%dma_wait3A_161 : memref<128xi32, #tpu.memory_space<vmem>>)
    %dma_start3A_163 = arith.constant 1 : i32
    %dma_start3A_164 = arith.constant 1 : i32
    %dma_start3A_165 = arith.constant 0 : i32
    %dma_start3A_166 = arith.constant 0 : i32
    %dma_start3A_167 = tpu.memref_slice %arg10[%dma_start3A_164, %dma_start3A_165, %dma_start3A_166] : memref<3x128x128xf32, #tpu.memory_space<vmem>> -> memref<1x128x128xf32, #tpu.memory_space<vmem>>
    %dma_start3A_168 = tpu.memref_squeeze %dma_start3A_167 : memref<1x128x128xf32, #tpu.memory_space<vmem>> -> memref<128x128xf32, #tpu.memory_space<vmem>>
    %dma_start3A_169 = arith.constant 0 : i32
    %dma_start3A_170 = tpu.memref_slice %arg7[%dma_start3A_163, %dma_start3A_169] : memref<2x128xi32, #tpu.memory_space<vmem>> -> memref<1x128xi32, #tpu.memory_space<vmem>>
    %dma_start3A_171 = tpu.memref_squeeze %dma_start3A_170 : memref<1x128xi32, #tpu.memory_space<vmem>> -> memref<128xi32, #tpu.memory_space<vmem>>
    %dma_start3A_172 = arith.constant 0 : i32
    %dma_start3A_173 = arith.constant 0 : i32
    %dma_start3A_174 = tpu.memref_slice %arg11[%dma_start3A_172, %dma_start3A_173] : memref<1320x128xf32, #tpu.memory_space<vmem_shared>> -> memref<1320x128xf32, #tpu.memory_space<vmem_shared>>
    tpu.enqueue_indirect_dma source(%dma_start3A_174 : memref<1320x128xf32, #tpu.memory_space<vmem_shared>>) target(%dma_start3A_168 : memref<128x128xf32, #tpu.memory_space<vmem>>) offsets(%dma_start3A_171 : memref<128xi32, #tpu.memory_space<vmem>>) semaphore(%arg13 : memref<!tpu.dma_semaphore, #tpu.memory_space<semaphore_mem>>)
    %dma_wait3A_175 = arith.constant 0 : i32
    %dma_wait3A_176 = arith.constant 0 : i32
    %dma_wait3A_177 = arith.constant 0 : i32
    %dma_wait3A_178 = arith.constant 0 : i32
    %dma_wait3A_179 = tpu.memref_slice %arg10[%dma_wait3A_176, %dma_wait3A_177, %dma_wait3A_178] : memref<3x128x128xf32, #tpu.memory_space<vmem>> -> memref<1x128x128xf32, #tpu.memory_space<vmem>>
    %dma_wait3A_180 = tpu.memref_squeeze %dma_wait3A_179 : memref<1x128x128xf32, #tpu.memory_space<vmem>> -> memref<128x128xf32, #tpu.memory_space<vmem>>
    %dma_wait3A_181 = arith.constant 0 : i32
    %dma_wait3A_182 = tpu.memref_slice %arg8[%dma_wait3A_175, %dma_wait3A_181] : memref<2x128xi32, #tpu.memory_space<vmem>> -> memref<1x128xi32, #tpu.memory_space<vmem>>
    %dma_wait3A_183 = tpu.memref_squeeze %dma_wait3A_182 : memref<1x128xi32, #tpu.memory_space<vmem>> -> memref<128xi32, #tpu.memory_space<vmem>>
    %dma_wait3A_184 = arith.constant 0 : i32
    %dma_wait3A_185 = arith.constant 0 : i32
    %dma_wait3A_186 = tpu.memref_slice %arg11[%dma_wait3A_184, %dma_wait3A_185] : memref<1320x128xf32, #tpu.memory_space<vmem_shared>> -> memref<1320x128xf32, #tpu.memory_space<vmem_shared>>
    tpu.wait_indirect_dma semaphore(%arg14 : memref<!tpu.dma_semaphore, #tpu.memory_space<semaphore_mem>>) src(%dma_wait3A_186 : memref<1320x128xf32, #tpu.memory_space<vmem_shared>>) dst(%dma_wait3A_180 : memref<128x128xf32, #tpu.memory_space<vmem>>)
    %dma_wait3A_187 = arith.constant 0 : i32
    %dma_wait3A_188 = arith.constant 0 : i32
    %dma_wait3A_189 = arith.constant 0 : i32
    %dma_wait3A_190 = arith.constant 0 : i32
    %dma_wait3A_191 = tpu.memref_slice %arg10[%dma_wait3A_188, %dma_wait3A_189, %dma_wait3A_190] : memref<3x128x128xf32, #tpu.memory_space<vmem>> -> memref<1x128x128xf32, #tpu.memory_space<vmem>>
    %dma_wait3A_192 = tpu.memref_squeeze %dma_wait3A_191 : memref<1x128x128xf32, #tpu.memory_space<vmem>> -> memref<128x128xf32, #tpu.memory_space<vmem>>
    %dma_wait3A_193 = arith.constant 0 : i32
    %dma_wait3A_194 = tpu.memref_slice %arg9[%dma_wait3A_187, %dma_wait3A_193] : memref<2x128xi32, #tpu.memory_space<vmem>> -> memref<1x128xi32, #tpu.memory_space<vmem>>
    %dma_wait3A_195 = tpu.memref_squeeze %dma_wait3A_194 : memref<1x128xi32, #tpu.memory_space<vmem>> -> memref<128xi32, #tpu.memory_space<vmem>>
    %dma_wait3A_196 = arith.constant 0 : i32
    %dma_wait3A_197 = arith.constant 0 : i32
    %dma_wait3A_198 = tpu.memref_slice %arg11[%dma_wait3A_196, %dma_wait3A_197] : memref<1320x128xf32, #tpu.memory_space<vmem_shared>> -> memref<1320x128xf32, #tpu.memory_space<vmem_shared>>
    tpu.wait_indirect_dma semaphore(%arg14 : memref<!tpu.dma_semaphore, #tpu.memory_space<semaphore_mem>>) src(%dma_wait3A_198 : memref<1320x128xf32, #tpu.memory_space<vmem_shared>>) dst(%dma_wait3A_192 : memref<128x128xf32, #tpu.memory_space<vmem>>)
    %add3A_199 = arith.constant 0 : i32
    %add3A_200 = arith.addi %mul3A_2, %add3A_199 : i32
    %dma_start3A_201 = arith.constant 0 : i32
    %dma_start3A_202 = arith.constant 0 : i32
    %dma_start3A_203 = arith.constant 0 : i32
    %dma_start3A_204 = tpu.memref_slice %arg10[%dma_start3A_201, %dma_start3A_202, %dma_start3A_203] : memref<3x128x128xf32, #tpu.memory_space<vmem>> -> memref<1x128x128xf32, #tpu.memory_space<vmem>>
    %dma_start3A_205 = tpu.memref_squeeze %dma_start3A_204 : memref<1x128x128xf32, #tpu.memory_space<vmem>> -> memref<128x128xf32, #tpu.memory_space<vmem>>
    %dma_start3A_206 = arith.constant 0 : i32
    %dma_start3A_207 = tpu.memref_slice %arg6[%add3A_200, %dma_start3A_206] : memref<8192x128xf32, #tpu.memory_space<hbm>> -> memref<128x128xf32, #tpu.memory_space<hbm>>
    %dma_start3A_208 = arith.constant 0 : i32
    %dma_start3A_209 = tpu.memref_slice %arg6[%add3A_200, %dma_start3A_208] : memref<8192x128xf32, #tpu.memory_space<hbm>> -> memref<128x128xf32, #tpu.memory_space<hbm>>
    %dma_start3A_210 = arith.constant 0 : i32
    %dma_start3A_211 = arith.constant 0 : i32
    %dma_start3A_212 = tpu.memref_slice %arg10[%dma_start3A_201, %dma_start3A_210, %dma_start3A_211] : memref<3x128x128xf32, #tpu.memory_space<vmem>> -> memref<1x128x128xf32, #tpu.memory_space<vmem>>
    %dma_start3A_213 = tpu.memref_squeeze %dma_start3A_212 : memref<1x128x128xf32, #tpu.memory_space<vmem>> -> memref<128x128xf32, #tpu.memory_space<vmem>>
    tpu.enqueue_dma source(%dma_start3A_213 : memref<128x128xf32, #tpu.memory_space<vmem>>) target(%dma_start3A_209 : memref<128x128xf32, #tpu.memory_space<hbm>>) target_semaphore(%arg15 : memref<!tpu.dma_semaphore, #tpu.memory_space<semaphore_mem>>)
    %dma_wait3A_214 = arith.constant 1 : i32
    %dma_wait3A_215 = arith.constant 1 : i32
    %dma_wait3A_216 = arith.constant 0 : i32
    %dma_wait3A_217 = arith.constant 0 : i32
    %dma_wait3A_218 = tpu.memref_slice %arg10[%dma_wait3A_215, %dma_wait3A_216, %dma_wait3A_217] : memref<3x128x128xf32, #tpu.memory_space<vmem>> -> memref<1x128x128xf32, #tpu.memory_space<vmem>>
    %dma_wait3A_219 = tpu.memref_squeeze %dma_wait3A_218 : memref<1x128x128xf32, #tpu.memory_space<vmem>> -> memref<128x128xf32, #tpu.memory_space<vmem>>
    %dma_wait3A_220 = arith.constant 0 : i32
    %dma_wait3A_221 = tpu.memref_slice %arg7[%dma_wait3A_214, %dma_wait3A_220] : memref<2x128xi32, #tpu.memory_space<vmem>> -> memref<1x128xi32, #tpu.memory_space<vmem>>
    %dma_wait3A_222 = tpu.memref_squeeze %dma_wait3A_221 : memref<1x128xi32, #tpu.memory_space<vmem>> -> memref<128xi32, #tpu.memory_space<vmem>>
    %dma_wait3A_223 = arith.constant 0 : i32
    %dma_wait3A_224 = arith.constant 0 : i32
    %dma_wait3A_225 = tpu.memref_slice %arg11[%dma_wait3A_223, %dma_wait3A_224] : memref<1320x128xf32, #tpu.memory_space<vmem_shared>> -> memref<1320x128xf32, #tpu.memory_space<vmem_shared>>
    tpu.wait_indirect_dma semaphore(%arg13 : memref<!tpu.dma_semaphore, #tpu.memory_space<semaphore_mem>>) src(%dma_wait3A_225 : memref<1320x128xf32, #tpu.memory_space<vmem_shared>>) dst(%dma_wait3A_219 : memref<128x128xf32, #tpu.memory_space<vmem>>)
    %dma_start3A_226 = arith.constant 1 : i32
    %dma_start3A_227 = arith.constant 1 : i32
    %dma_start3A_228 = arith.constant 0 : i32
    %dma_start3A_229 = arith.constant 0 : i32
    %dma_start3A_230 = tpu.memref_slice %arg10[%dma_start3A_227, %dma_start3A_228, %dma_start3A_229] : memref<3x128x128xf32, #tpu.memory_space<vmem>> -> memref<1x128x128xf32, #tpu.memory_space<vmem>>
    %dma_start3A_231 = tpu.memref_squeeze %dma_start3A_230 : memref<1x128x128xf32, #tpu.memory_space<vmem>> -> memref<128x128xf32, #tpu.memory_space<vmem>>
    %dma_start3A_232 = arith.constant 0 : i32
    %dma_start3A_233 = tpu.memref_slice %arg8[%dma_start3A_226, %dma_start3A_232] : memref<2x128xi32, #tpu.memory_space<vmem>> -> memref<1x128xi32, #tpu.memory_space<vmem>>
    %dma_start3A_234 = tpu.memref_squeeze %dma_start3A_233 : memref<1x128xi32, #tpu.memory_space<vmem>> -> memref<128xi32, #tpu.memory_space<vmem>>
    %dma_start3A_235 = arith.constant 0 : i32
    %dma_start3A_236 = arith.constant 0 : i32
    %dma_start3A_237 = tpu.memref_slice %arg11[%dma_start3A_235, %dma_start3A_236] : memref<1320x128xf32, #tpu.memory_space<vmem_shared>> -> memref<1320x128xf32, #tpu.memory_space<vmem_shared>>
    tpu.enqueue_indirect_dma source(%dma_start3A_237 : memref<1320x128xf32, #tpu.memory_space<vmem_shared>>) target(%dma_start3A_231 : memref<128x128xf32, #tpu.memory_space<vmem>>) offsets(%dma_start3A_234 : memref<128xi32, #tpu.memory_space<vmem>>) semaphore(%arg14 : memref<!tpu.dma_semaphore, #tpu.memory_space<semaphore_mem>>) {add = true}
    %dma_start3A_238 = arith.constant 1 : i32
    %dma_start3A_239 = arith.constant 1 : i32
    %dma_start3A_240 = arith.constant 0 : i32
    %dma_start3A_241 = arith.constant 0 : i32
    %dma_start3A_242 = tpu.memref_slice %arg10[%dma_start3A_239, %dma_start3A_240, %dma_start3A_241] : memref<3x128x128xf32, #tpu.memory_space<vmem>> -> memref<1x128x128xf32, #tpu.memory_space<vmem>>
    %dma_start3A_243 = tpu.memref_squeeze %dma_start3A_242 : memref<1x128x128xf32, #tpu.memory_space<vmem>> -> memref<128x128xf32, #tpu.memory_space<vmem>>
    %dma_start3A_244 = arith.constant 0 : i32
    %dma_start3A_245 = tpu.memref_slice %arg9[%dma_start3A_238, %dma_start3A_244] : memref<2x128xi32, #tpu.memory_space<vmem>> -> memref<1x128xi32, #tpu.memory_space<vmem>>
    %dma_start3A_246 = tpu.memref_squeeze %dma_start3A_245 : memref<1x128xi32, #tpu.memory_space<vmem>> -> memref<128xi32, #tpu.memory_space<vmem>>
    %dma_start3A_247 = arith.constant 0 : i32
    %dma_start3A_248 = arith.constant 0 : i32
    %dma_start3A_249 = tpu.memref_slice %arg11[%dma_start3A_247, %dma_start3A_248] : memref<1320x128xf32, #tpu.memory_space<vmem_shared>> -> memref<1320x128xf32, #tpu.memory_space<vmem_shared>>
    tpu.enqueue_indirect_dma source(%dma_start3A_249 : memref<1320x128xf32, #tpu.memory_space<vmem_shared>>) target(%dma_start3A_243 : memref<128x128xf32, #tpu.memory_space<vmem>>) offsets(%dma_start3A_246 : memref<128xi32, #tpu.memory_space<vmem>>) semaphore(%arg14 : memref<!tpu.dma_semaphore, #tpu.memory_space<semaphore_mem>>) {add = true}
    %dma_wait3A_250 = arith.constant 1 : i32
    %dma_wait3A_251 = arith.constant 1 : i32
    %dma_wait3A_252 = arith.constant 0 : i32
    %dma_wait3A_253 = arith.constant 0 : i32
    %dma_wait3A_254 = tpu.memref_slice %arg10[%dma_wait3A_251, %dma_wait3A_252, %dma_wait3A_253] : memref<3x128x128xf32, #tpu.memory_space<vmem>> -> memref<1x128x128xf32, #tpu.memory_space<vmem>>
    %dma_wait3A_255 = tpu.memref_squeeze %dma_wait3A_254 : memref<1x128x128xf32, #tpu.memory_space<vmem>> -> memref<128x128xf32, #tpu.memory_space<vmem>>
    %dma_wait3A_256 = arith.constant 0 : i32
    %dma_wait3A_257 = tpu.memref_slice %arg8[%dma_wait3A_250, %dma_wait3A_256] : memref<2x128xi32, #tpu.memory_space<vmem>> -> memref<1x128xi32, #tpu.memory_space<vmem>>
    %dma_wait3A_258 = tpu.memref_squeeze %dma_wait3A_257 : memref<1x128xi32, #tpu.memory_space<vmem>> -> memref<128xi32, #tpu.memory_space<vmem>>
    %dma_wait3A_259 = arith.constant 0 : i32
    %dma_wait3A_260 = arith.constant 0 : i32
    %dma_wait3A_261 = tpu.memref_slice %arg11[%dma_wait3A_259, %dma_wait3A_260] : memref<1320x128xf32, #tpu.memory_space<vmem_shared>> -> memref<1320x128xf32, #tpu.memory_space<vmem_shared>>
    tpu.wait_indirect_dma semaphore(%arg14 : memref<!tpu.dma_semaphore, #tpu.memory_space<semaphore_mem>>) src(%dma_wait3A_261 : memref<1320x128xf32, #tpu.memory_space<vmem_shared>>) dst(%dma_wait3A_255 : memref<128x128xf32, #tpu.memory_space<vmem>>)
    %dma_wait3A_262 = arith.constant 1 : i32
    %dma_wait3A_263 = arith.constant 1 : i32
    %dma_wait3A_264 = arith.constant 0 : i32
    %dma_wait3A_265 = arith.constant 0 : i32
    %dma_wait3A_266 = tpu.memref_slice %arg10[%dma_wait3A_263, %dma_wait3A_264, %dma_wait3A_265] : memref<3x128x128xf32, #tpu.memory_space<vmem>> -> memref<1x128x128xf32, #tpu.memory_space<vmem>>
    %dma_wait3A_267 = tpu.memref_squeeze %dma_wait3A_266 : memref<1x128x128xf32, #tpu.memory_space<vmem>> -> memref<128x128xf32, #tpu.memory_space<vmem>>
    %dma_wait3A_268 = arith.constant 0 : i32
    %dma_wait3A_269 = tpu.memref_slice %arg9[%dma_wait3A_262, %dma_wait3A_268] : memref<2x128xi32, #tpu.memory_space<vmem>> -> memref<1x128xi32, #tpu.memory_space<vmem>>
    %dma_wait3A_270 = tpu.memref_squeeze %dma_wait3A_269 : memref<1x128xi32, #tpu.memory_space<vmem>> -> memref<128xi32, #tpu.memory_space<vmem>>
    %dma_wait3A_271 = arith.constant 0 : i32
    %dma_wait3A_272 = arith.constant 0 : i32
    %dma_wait3A_273 = tpu.memref_slice %arg11[%dma_wait3A_271, %dma_wait3A_272] : memref<1320x128xf32, #tpu.memory_space<vmem_shared>> -> memref<1320x128xf32, #tpu.memory_space<vmem_shared>>
    tpu.wait_indirect_dma semaphore(%arg14 : memref<!tpu.dma_semaphore, #tpu.memory_space<semaphore_mem>>) src(%dma_wait3A_273 : memref<1320x128xf32, #tpu.memory_space<vmem_shared>>) dst(%dma_wait3A_267 : memref<128x128xf32, #tpu.memory_space<vmem>>)
    %add3A_274 = arith.constant 128 : i32
    %add3A_275 = arith.addi %mul3A_2, %add3A_274 : i32
    %dma_start3A_276 = arith.constant 1 : i32
    %dma_start3A_277 = arith.constant 0 : i32
    %dma_start3A_278 = arith.constant 0 : i32
    %dma_start3A_279 = tpu.memref_slice %arg10[%dma_start3A_276, %dma_start3A_277, %dma_start3A_278] : memref<3x128x128xf32, #tpu.memory_space<vmem>> -> memref<1x128x128xf32, #tpu.memory_space<vmem>>
    %dma_start3A_280 = tpu.memref_squeeze %dma_start3A_279 : memref<1x128x128xf32, #tpu.memory_space<vmem>> -> memref<128x128xf32, #tpu.memory_space<vmem>>
    %dma_start3A_281 = arith.constant 0 : i32
    %dma_start3A_282 = tpu.memref_slice %arg6[%add3A_275, %dma_start3A_281] : memref<8192x128xf32, #tpu.memory_space<hbm>> -> memref<128x128xf32, #tpu.memory_space<hbm>>
    %dma_start3A_283 = arith.constant 0 : i32
    %dma_start3A_284 = tpu.memref_slice %arg6[%add3A_275, %dma_start3A_283] : memref<8192x128xf32, #tpu.memory_space<hbm>> -> memref<128x128xf32, #tpu.memory_space<hbm>>
    %dma_start3A_285 = arith.constant 0 : i32
    %dma_start3A_286 = arith.constant 0 : i32
    %dma_start3A_287 = tpu.memref_slice %arg10[%dma_start3A_276, %dma_start3A_285, %dma_start3A_286] : memref<3x128x128xf32, #tpu.memory_space<vmem>> -> memref<1x128x128xf32, #tpu.memory_space<vmem>>
    %dma_start3A_288 = tpu.memref_squeeze %dma_start3A_287 : memref<1x128x128xf32, #tpu.memory_space<vmem>> -> memref<128x128xf32, #tpu.memory_space<vmem>>
    tpu.enqueue_dma source(%dma_start3A_288 : memref<128x128xf32, #tpu.memory_space<vmem>>) target(%dma_start3A_284 : memref<128x128xf32, #tpu.memory_space<hbm>>) target_semaphore(%arg15 : memref<!tpu.dma_semaphore, #tpu.memory_space<semaphore_mem>>)
    %dma_wait3A_289 = arith.constant 0 : i32
    %dma_wait3A_290 = arith.constant 0 : i32
    %dma_wait3A_291 = arith.constant 0 : i32
    %dma_wait3A_292 = tpu.memref_slice %arg10[%dma_wait3A_289, %dma_wait3A_290, %dma_wait3A_291] : memref<3x128x128xf32, #tpu.memory_space<vmem>> -> memref<1x128x128xf32, #tpu.memory_space<vmem>>
    %dma_wait3A_293 = tpu.memref_squeeze %dma_wait3A_292 : memref<1x128x128xf32, #tpu.memory_space<vmem>> -> memref<128x128xf32, #tpu.memory_space<vmem>>
    %dma_wait3A_294 = arith.constant 0 : i32
    %dma_wait3A_295 = tpu.memref_slice %arg6[%add3A_200, %dma_wait3A_294] : memref<8192x128xf32, #tpu.memory_space<hbm>> -> memref<128x128xf32, #tpu.memory_space<hbm>>
    %dma_wait3A_296 = arith.constant 0 : i32
    %dma_wait3A_297 = tpu.memref_slice %arg6[%add3A_200, %dma_wait3A_296] : memref<8192x128xf32, #tpu.memory_space<hbm>> -> memref<128x128xf32, #tpu.memory_space<hbm>>
    %dma_wait3A_298 = arith.constant 0 : i32
    %dma_wait3A_299 = arith.constant 0 : i32
    %dma_wait3A_300 = tpu.memref_slice %arg10[%dma_wait3A_289, %dma_wait3A_298, %dma_wait3A_299] : memref<3x128x128xf32, #tpu.memory_space<vmem>> -> memref<1x128x128xf32, #tpu.memory_space<vmem>>
    %dma_wait3A_301 = tpu.memref_squeeze %dma_wait3A_300 : memref<1x128x128xf32, #tpu.memory_space<vmem>> -> memref<128x128xf32, #tpu.memory_space<vmem>>
    tpu.wait_dma2 semaphore(%arg15 : memref<!tpu.dma_semaphore, #tpu.memory_space<semaphore_mem>>) src(%dma_wait3A_301 : memref<128x128xf32, #tpu.memory_space<vmem>>) dst(%dma_wait3A_297 : memref<128x128xf32, #tpu.memory_space<hbm>>)
    %dma_wait3A_302 = arith.constant 1 : i32
    %dma_wait3A_303 = arith.constant 0 : i32
    %dma_wait3A_304 = arith.constant 0 : i32
    %dma_wait3A_305 = tpu.memref_slice %arg10[%dma_wait3A_302, %dma_wait3A_303, %dma_wait3A_304] : memref<3x128x128xf32, #tpu.memory_space<vmem>> -> memref<1x128x128xf32, #tpu.memory_space<vmem>>
    %dma_wait3A_306 = tpu.memref_squeeze %dma_wait3A_305 : memref<1x128x128xf32, #tpu.memory_space<vmem>> -> memref<128x128xf32, #tpu.memory_space<vmem>>
    %dma_wait3A_307 = arith.constant 0 : i32
    %dma_wait3A_308 = tpu.memref_slice %arg6[%add3A_275, %dma_wait3A_307] : memref<8192x128xf32, #tpu.memory_space<hbm>> -> memref<128x128xf32, #tpu.memory_space<hbm>>
    %dma_wait3A_309 = arith.constant 0 : i32
    %dma_wait3A_310 = tpu.memref_slice %arg6[%add3A_275, %dma_wait3A_309] : memref<8192x128xf32, #tpu.memory_space<hbm>> -> memref<128x128xf32, #tpu.memory_space<hbm>>
    %dma_wait3A_311 = arith.constant 0 : i32
    %dma_wait3A_312 = arith.constant 0 : i32
    %dma_wait3A_313 = tpu.memref_slice %arg10[%dma_wait3A_302, %dma_wait3A_311, %dma_wait3A_312] : memref<3x128x128xf32, #tpu.memory_space<vmem>> -> memref<1x128x128xf32, #tpu.memory_space<vmem>>
    %dma_wait3A_314 = tpu.memref_squeeze %dma_wait3A_313 : memref<1x128x128xf32, #tpu.memory_space<vmem>> -> memref<128x128xf32, #tpu.memory_space<vmem>>
    tpu.wait_dma2 semaphore(%arg15 : memref<!tpu.dma_semaphore, #tpu.memory_space<semaphore_mem>>) src(%dma_wait3A_314 : memref<128x128xf32, #tpu.memory_space<vmem>>) dst(%dma_wait3A_310 : memref<128x128xf32, #tpu.memory_space<hbm>>)
    return
  }
}

module attributes {stable_mosaic.version = 14 : i64} {
  func.func @_prep_body(%arg0: memref<1320x46xf32, #tpu.memory_space<vmem>>, %arg1: memref<4x92x46xf32, #tpu.memory_space<vmem>>, %arg2: memref<46x128xf32, #tpu.memory_space<vmem>>, %arg3: memref<1320x128xf32, #tpu.memory_space<vmem>>, %arg4: memref<92x512xf32, #tpu.memory_space<vmem>>) attributes {dimension_semantics = [], scalar_prefetch = 0 : i64, scratch_operands = 0 : i64, tpu.core_type = #tpu.core_type<tc>} {
    %get3A = arith.constant 0 : index
    %get3A_0 = arith.constant 0 : index
    %get3A_1 = vector.load %arg2[%get3A, %get3A_0] : memref<46x128xf32, #tpu.memory_space<vmem>>, vector<46x128xf32>
    %get3A_2 = arith.constant 0 : index
    %get3A_3 = arith.constant 0 : index
    %get3A_4 = vector.load %arg0[%get3A_2, %get3A_3] : memref<1320x46xf32, #tpu.memory_space<vmem>>, vector<1320x46xf32>
    %dot_general3A = arith.constant dense<0.000000e+00> : vector<1320x128xf32>
    %dot_general3A_5 = tpu.matmul %get3A_4, %get3A_1, %dot_general3A {dimension_numbers = #tpu.dot_dimension_numbers<[1], [0], [0], [1], [0, 0, 1, 1], [], []>, transpose_lhs_hint = false} : vector<1320x46xf32>, vector<46x128xf32>, vector<1320x128xf32> -> vector<1320x128xf32>
    %swap3A = arith.constant 0 : index
    %swap3A_6 = arith.constant 0 : index
    %swap3A_7 = vector.load %arg3[%swap3A, %swap3A_6] : memref<1320x128xf32, #tpu.memory_space<vmem>>, vector<1320x128xf32>
    tpu.vector_store %arg3[%swap3A, %swap3A_6], %dot_general3A_5 {strides = array<i32>} : memref<1320x128xf32, #tpu.memory_space<vmem>>, vector<1320x128xf32>,
    %get3A_8 = arith.constant 0 : index
    %get3A_9 = arith.constant 0 : index
    %get3A_10 = arith.constant 0 : index
    %get3A_11 = vector.load %arg1[%get3A_8, %get3A_9, %get3A_10] : memref<4x92x46xf32, #tpu.memory_space<vmem>>, vector<1x92x46xf32>
    %get3A_12 = vector.shape_cast %get3A_11 : vector<1x92x46xf32> to vector<92x46xf32>
    %dot_general3A_13 = arith.constant dense<0.000000e+00> : vector<92x128xf32>
    %dot_general3A_14 = tpu.matmul %get3A_12, %get3A_1, %dot_general3A_13 {dimension_numbers = #tpu.dot_dimension_numbers<[1], [0], [0], [1], [0, 0, 1, 1], [], []>, transpose_lhs_hint = false} : vector<92x46xf32>, vector<46x128xf32>, vector<92x128xf32> -> vector<92x128xf32>
    %swap3A_15 = arith.constant 0 : index
    %swap3A_16 = arith.constant 0 : index
    %swap3A_17 = vector.load %arg4[%swap3A_15, %swap3A_16] : memref<92x512xf32, #tpu.memory_space<vmem>>, vector<92x128xf32>
    tpu.vector_store %arg4[%swap3A_15, %swap3A_16], %dot_general3A_14 {strides = array<i32>} : memref<92x512xf32, #tpu.memory_space<vmem>>, vector<92x128xf32>,
    %get3A_18 = arith.constant 1 : index
    %get3A_19 = arith.constant 0 : index
    %get3A_20 = arith.constant 0 : index
    %get3A_21 = vector.load %arg1[%get3A_18, %get3A_19, %get3A_20] : memref<4x92x46xf32, #tpu.memory_space<vmem>>, vector<1x92x46xf32>
    %get3A_22 = vector.shape_cast %get3A_21 : vector<1x92x46xf32> to vector<92x46xf32>
    %dot_general3A_23 = arith.constant dense<0.000000e+00> : vector<92x128xf32>
    %dot_general3A_24 = tpu.matmul %get3A_22, %get3A_1, %dot_general3A_23 {dimension_numbers = #tpu.dot_dimension_numbers<[1], [0], [0], [1], [0, 0, 1, 1], [], []>, transpose_lhs_hint = false} : vector<92x46xf32>, vector<46x128xf32>, vector<92x128xf32> -> vector<92x128xf32>
    %swap3A_25 = arith.constant 0 : index
    %swap3A_26 = arith.constant 128 : index
    %swap3A_27 = vector.load %arg4[%swap3A_25, %swap3A_26] : memref<92x512xf32, #tpu.memory_space<vmem>>, vector<92x128xf32>
    tpu.vector_store %arg4[%swap3A_25, %swap3A_26], %dot_general3A_24 {strides = array<i32>} : memref<92x512xf32, #tpu.memory_space<vmem>>, vector<92x128xf32>,
    %get3A_28 = arith.constant 2 : index
    %get3A_29 = arith.constant 0 : index
    %get3A_30 = arith.constant 0 : index
    %get3A_31 = vector.load %arg1[%get3A_28, %get3A_29, %get3A_30] : memref<4x92x46xf32, #tpu.memory_space<vmem>>, vector<1x92x46xf32>
    %get3A_32 = vector.shape_cast %get3A_31 : vector<1x92x46xf32> to vector<92x46xf32>
    %dot_general3A_33 = arith.constant dense<0.000000e+00> : vector<92x128xf32>
    %dot_general3A_34 = tpu.matmul %get3A_32, %get3A_1, %dot_general3A_33 {dimension_numbers = #tpu.dot_dimension_numbers<[1], [0], [0], [1], [0, 0, 1, 1], [], []>, transpose_lhs_hint = false} : vector<92x46xf32>, vector<46x128xf32>, vector<92x128xf32> -> vector<92x128xf32>
    %swap3A_35 = arith.constant 0 : index
    %swap3A_36 = arith.constant 256 : index
    %swap3A_37 = vector.load %arg4[%swap3A_35, %swap3A_36] : memref<92x512xf32, #tpu.memory_space<vmem>>, vector<92x128xf32>
    tpu.vector_store %arg4[%swap3A_35, %swap3A_36], %dot_general3A_34 {strides = array<i32>} : memref<92x512xf32, #tpu.memory_space<vmem>>, vector<92x128xf32>,
    %get3A_38 = arith.constant 3 : index
    %get3A_39 = arith.constant 0 : index
    %get3A_40 = arith.constant 0 : index
    %get3A_41 = vector.load %arg1[%get3A_38, %get3A_39, %get3A_40] : memref<4x92x46xf32, #tpu.memory_space<vmem>>, vector<1x92x46xf32>
    %get3A_42 = vector.shape_cast %get3A_41 : vector<1x92x46xf32> to vector<92x46xf32>
    %dot_general3A_43 = arith.constant dense<0.000000e+00> : vector<92x128xf32>
    %dot_general3A_44 = tpu.matmul %get3A_42, %get3A_1, %dot_general3A_43 {dimension_numbers = #tpu.dot_dimension_numbers<[1], [0], [0], [1], [0, 0, 1, 1], [], []>, transpose_lhs_hint = false} : vector<92x46xf32>, vector<46x128xf32>, vector<92x128xf32> -> vector<92x128xf32>
    %swap3A_45 = arith.constant 0 : index
    %swap3A_46 = arith.constant 384 : index
    %swap3A_47 = vector.load %arg4[%swap3A_45, %swap3A_46] : memref<92x512xf32, #tpu.memory_space<vmem>>, vector<92x128xf32>
    tpu.vector_store %arg4[%swap3A_45, %swap3A_46], %dot_general3A_44 {strides = array<i32>} : memref<92x512xf32, #tpu.memory_space<vmem>>, vector<92x128xf32>,
    return
  }
}

module attributes {stable_mosaic.version = 14 : i64} {
  func.func @_idx_body(%arg0: memref<64x1152xi32, #tpu.memory_space<vmem>>, %arg1: memref<1152x256xf32, #tpu.memory_space<vmem>>, %arg2: memref<1152x128xf32, #tpu.memory_space<vmem>>, %arg3: memref<64x128xi32, #tpu.memory_space<vmem>>, %arg4: memref<64x128xi32, #tpu.memory_space<vmem>>, %arg5: memref<64x128xi32, #tpu.memory_space<vmem>>) attributes {dimension_semantics = [], scalar_prefetch = 0 : i64, scratch_operands = 0 : i64, tpu.core_type = #tpu.core_type<tc>} {
    %get3A = arith.constant 0 : index
    %get3A_0 = arith.constant 0 : index
    %get3A_1 = vector.load %arg0[%get3A, %get3A_0] : memref<64x1152xi32, #tpu.memory_space<vmem>>, vector<64x1152xi32>
    %convert_element_type3A = arith.sitofp %get3A_1 : vector<64x1152xi32> to vector<64x1152xf32>
    %get3A_2 = arith.constant 0 : index
    %get3A_3 = arith.constant 0 : index
    %get3A_4 = vector.load %arg0[%get3A_2, %get3A_3] : memref<64x1152xi32, #tpu.memory_space<vmem>>, vector<64x1152xi32>
    %ne3A = arith.constant 0 : i32
    %ne3A_5 = vector.broadcast %ne3A : i32 to vector<64x1152xi32>
    %ne3A_6 = arith.cmpi ne, %get3A_4, %ne3A_5 : vector<64x1152xi32>
    %convert_element_type3A_7 = arith.extui %ne3A_6 : vector<64x1152xi1> to vector<64x1152xi32>
    %convert_element_type3A_8 = arith.sitofp %convert_element_type3A_7 : vector<64x1152xi32> to vector<64x1152xf32>
    %get3A_9 = arith.constant 0 : index
    %get3A_10 = arith.constant 0 : index
    %get3A_11 = vector.load %arg1[%get3A_9, %get3A_10] : memref<1152x256xf32, #tpu.memory_space<vmem>>, vector<1152x256xf32>
    %dot_general3A = arith.constant dense<0.000000e+00> : vector<64x256xf32>
    %dot_general3A_12 = tpu.matmul %convert_element_type3A, %get3A_11, %dot_general3A {dimension_numbers = #tpu.dot_dimension_numbers<[1], [0], [0], [1], [0, 0, 1, 1], [], []>, transpose_lhs_hint = false} : vector<64x1152xf32>, vector<1152x256xf32>, vector<64x256xf32> -> vector<64x256xf32>
    %get3A_13 = arith.constant 0 : index
    %get3A_14 = arith.constant 0 : index
    %get3A_15 = vector.load %arg2[%get3A_13, %get3A_14] : memref<1152x128xf32, #tpu.memory_space<vmem>>, vector<1152x128xf32>
    %dot_general3A_16 = arith.constant dense<0.000000e+00> : vector<64x128xf32>
    %dot_general3A_17 = tpu.matmul %convert_element_type3A_8, %get3A_15, %dot_general3A_16 {dimension_numbers = #tpu.dot_dimension_numbers<[1], [0], [0], [1], [0, 0, 1, 1], [], []>, transpose_lhs_hint = false} : vector<64x1152xf32>, vector<1152x128xf32>, vector<64x128xf32> -> vector<64x128xf32>
    %convert_element_type3A_18 = arith.fptosi %dot_general3A_17 : vector<64x128xf32> to vector<64x128xi32>
    %iota3A = tpu.iota {dimensions = array<i32: 1>} : vector<64x128xi32>
    %jit3A = arith.constant 4 : i32
    %eq3A = arith.constant 0 : i32
    %eq3A_19 = arith.cmpi eq, %jit3A, %eq3A : i32
    %jit3A_20 = arith.constant 1 : i32
    %select_n3A = arith.select %eq3A_19, %jit3A_20, %jit3A : i32
    %rem3A = vector.broadcast %select_n3A : i32 to vector<64x128xi32>
    %rem3A_21 = arith.remsi %iota3A, %rem3A : vector<64x128xi32>
    %ne3A_22 = arith.constant 0 : i32
    %ne3A_23 = vector.broadcast %ne3A_22 : i32 to vector<64x128xi32>
    %ne3A_24 = arith.cmpi ne, %rem3A_21, %ne3A_23 : vector<64x128xi32>
    %lt3A = arith.constant 0 : i32
    %lt3A_25 = vector.broadcast %lt3A : i32 to vector<64x128xi32>
    %lt3A_26 = arith.cmpi slt, %rem3A_21, %lt3A_25 : vector<64x128xi32>
    %lt3A_27 = arith.constant 0 : i32
    %lt3A_28 = arith.cmpi slt, %select_n3A, %lt3A_27 : i32
    %ne3A_29 = vector.broadcast %lt3A_28 : i1 to vector<64x128xi1>
    %ne3A_30 = vector.broadcast %ne3A_29 : vector<64x128xi1> to vector<64x128xi1>
    %ne3A_31 = arith.xori %lt3A_26, %ne3A_30 : vector<64x128xi1>
    %and3A = arith.andi %ne3A_31, %ne3A_24 : vector<64x128xi1>
    %add3A = vector.broadcast %select_n3A : i32 to vector<64x128xi32>
    %add3A_32 = arith.addi %rem3A_21, %add3A : vector<64x128xi32>
    %select_n3A_33 = arith.select %and3A, %add3A_32, %rem3A_21 : vector<64x128xi1>, vector<64x128xi32>
    %slice3A = vector.extract_strided_slice %dot_general3A_12 {offsets = [0, 0], sizes = [64, 128], strides = [1, 1]} : vector<64x256xf32> to vector<64x128xf32>
    %convert_element_type3A_34 = arith.fptosi %slice3A : vector<64x128xf32> to vector<64x128xi32>
    %mul3A = arith.constant 324 : i32
    %mul3A_35 = vector.broadcast %mul3A : i32 to vector<64x128xi32>
    %mul3A_36 = arith.muli %mul3A_35, %select_n3A_33 : vector<64x128xi32>
    %add3A_37 = arith.addi %convert_element_type3A_34, %mul3A_36 : vector<64x128xi32>
    %swap3A = arith.constant 0 : index
    %swap3A_38 = arith.constant 0 : index
    %swap3A_39 = vector.load %arg3[%swap3A, %swap3A_38] : memref<64x128xi32, #tpu.memory_space<vmem>>, vector<64x128xi32>
    tpu.vector_store %arg3[%swap3A, %swap3A_38], %add3A_37 {strides = array<i32>} : memref<64x128xi32, #tpu.memory_space<vmem>>, vector<64x128xi32>,
    %slice3A_40 = vector.extract_strided_slice %dot_general3A_12 {offsets = [0, 128], sizes = [64, 128], strides = [1, 1]} : vector<64x256xf32> to vector<64x128xf32>
    %convert_element_type3A_41 = arith.fptosi %slice3A_40 : vector<64x128xf32> to vector<64x128xi32>
    %mul3A_42 = arith.constant 324 : i32
    %mul3A_43 = vector.broadcast %mul3A_42 : i32 to vector<64x128xi32>
    %mul3A_44 = arith.muli %mul3A_43, %select_n3A_33 : vector<64x128xi32>
    %add3A_45 = arith.addi %convert_element_type3A_41, %mul3A_44 : vector<64x128xi32>
    %add3A_46 = arith.constant 81 : i32
    %add3A_47 = vector.broadcast %add3A_46 : i32 to vector<64x128xi32>
    %add3A_48 = arith.addi %add3A_45, %add3A_47 : vector<64x128xi32>
    %swap3A_49 = arith.constant 0 : index
    %swap3A_50 = arith.constant 0 : index
    %swap3A_51 = vector.load %arg4[%swap3A_49, %swap3A_50] : memref<64x128xi32, #tpu.memory_space<vmem>>, vector<64x128xi32>
    tpu.vector_store %arg4[%swap3A_49, %swap3A_50], %add3A_48 {strides = array<i32>} : memref<64x128xi32, #tpu.memory_space<vmem>>, vector<64x128xi32>,
    %lt3A_52 = arith.constant 19 : i32
    %lt3A_53 = vector.broadcast %lt3A_52 : i32 to vector<64x128xi32>
    %lt3A_54 = arith.cmpi slt, %convert_element_type3A_18, %lt3A_53 : vector<64x128xi32>
    %add3A_55 = arith.constant 1296 : i32
    %add3A_56 = vector.broadcast %add3A_55 : i32 to vector<64x128xi32>
    %add3A_57 = arith.addi %add3A_56, %convert_element_type3A_18 : vector<64x128xi32>
    %jit3A_58 = arith.constant 1315 : i32
    %broadcast_in_dim3A = vector.broadcast %jit3A_58 : i32 to vector<64x128xi32>
    %select_n3A_59 = arith.select %lt3A_54, %add3A_57, %broadcast_in_dim3A : vector<64x128xi1>, vector<64x128xi32>
    %swap3A_60 = arith.constant 0 : index
    %swap3A_61 = arith.constant 0 : index
    %swap3A_62 = vector.load %arg5[%swap3A_60, %swap3A_61] : memref<64x128xi32, #tpu.memory_space<vmem>>, vector<64x128xi32>
    tpu.vector_store %arg5[%swap3A_60, %swap3A_61], %select_n3A_59 {strides = array<i32>} : memref<64x128xi32, #tpu.memory_space<vmem>>, vector<64x128xi32>,
    return
  }
}

module attributes {stable_mosaic.version = 14 : i64} {
  func.func @_dense_body(%arg0: i32, %arg1: memref<1024x36xi32, #tpu.memory_space<vmem>>, %arg2: memref<92x512xf32, #tpu.memory_space<vmem>>, %arg3: memref<1024x4x128xf32, #tpu.memory_space<vmem>>) attributes {dimension_semantics = [#tpu.dimension_semantics<arbitrary>], iteration_bounds = array<i64: 14>, scalar_prefetch = 0 : i64, scratch_operands = 0 : i64, tpu.core_type = #tpu.core_type<tc>, window_params = [{transform_indices = @transform_0, window_bounds = array<i64: 1024, 36>}, {pipeline_mode = #tpu.pipeline_mode<synchronous>, transform_indices = @transform_1, window_bounds = array<i64: 92, 512>}, {transform_indices = @transform_2, window_bounds = array<i64: 1024, 4, 128>}]} {
    %get3A = arith.constant 0 : index
    %get3A_0 = arith.constant 0 : index
    %get3A_1 = vector.load %arg1[%get3A, %get3A_0] : memref<1024x36xi32, #tpu.memory_space<vmem>>, vector<1024x36xi32>
    %eq3A = arith.constant 1 : i32
    %eq3A_2 = vector.broadcast %eq3A : i32 to vector<1024x36xi32>
    %eq3A_3 = arith.cmpi eq, %get3A_1, %eq3A_2 : vector<1024x36xi32>
    %convert_element_type3A = arith.extui %eq3A_3 : vector<1024x36xi1> to vector<1024x36xi32>
    %convert_element_type3A_4 = arith.sitofp %convert_element_type3A : vector<1024x36xi32> to vector<1024x36xf32>
    %eq3A_5 = arith.constant 2 : i32
    %eq3A_6 = vector.broadcast %eq3A_5 : i32 to vector<1024x36xi32>
    %eq3A_7 = arith.cmpi eq, %get3A_1, %eq3A_6 : vector<1024x36xi32>
    %convert_element_type3A_8 = arith.extui %eq3A_7 : vector<1024x36xi1> to vector<1024x36xi32>
    %convert_element_type3A_9 = arith.sitofp %convert_element_type3A_8 : vector<1024x36xi32> to vector<1024x36xf32>
    %ne3A = arith.constant 0 : i32
    %ne3A_10 = vector.broadcast %ne3A : i32 to vector<1024x36xi32>
    %ne3A_11 = arith.cmpi ne, %get3A_1, %ne3A_10 : vector<1024x36xi32>
    %convert_element_type3A_12 = arith.extui %ne3A_11 : vector<1024x36xi1> to vector<1024x36xi32>
    %reduce_sum3A = arith.constant dense<0> : vector<1024xi32>
    %reduce_sum3A_13 = vector.multi_reduction <add>, %convert_element_type3A_12, %reduce_sum3A [1] : vector<1024x36xi32> to vector<1024xi32>
    %broadcast_in_dim3A = vector.shape_cast %reduce_sum3A_13 : vector<1024xi32> to vector<1024x1xi32>
    %iota3A = tpu.iota {dimensions = array<i32: 1>} : vector<1024x19xi32>
    %eq3A_14 = vector.broadcast %broadcast_in_dim3A : vector<1024x1xi32> to vector<1024x19xi32>
    %eq3A_15 = arith.cmpi eq, %iota3A, %eq3A_14 : vector<1024x19xi32>
    %convert_element_type3A_16 = arith.extui %eq3A_15 : vector<1024x19xi1> to vector<1024x19xi32>
    %convert_element_type3A_17 = arith.sitofp %convert_element_type3A_16 : vector<1024x19xi32> to vector<1024x19xf32>
    %broadcast_in_dim3A_18 = arith.constant 1.000000e+00 : f32
    %broadcast_in_dim3A_19 = vector.broadcast %broadcast_in_dim3A_18 : f32 to vector<1024x1xf32>
    %concatenate3A = tpu.concatenate %convert_element_type3A_4, %convert_element_type3A_9, %convert_element_type3A_17, %broadcast_in_dim3A_19 in 1 : vector<1024x36xf32>, vector<1024x36xf32>, vector<1024x19xf32>, vector<1024x1xf32> -> vector<1024x92xf32>
    %get3A_20 = arith.constant 0 : index
    %get3A_21 = arith.constant 0 : index
    %get3A_22 = vector.load %arg2[%get3A_20, %get3A_21] : memref<92x512xf32, #tpu.memory_space<vmem>>, vector<92x128xf32>
    %dot_general3A = arith.constant dense<0.000000e+00> : vector<1024x128xf32>
    %dot_general3A_23 = tpu.matmul %concatenate3A, %get3A_22, %dot_general3A {dimension_numbers = #tpu.dot_dimension_numbers<[1], [0], [0], [1], [0, 0, 1, 1], [], []>, transpose_lhs_hint = false} : vector<1024x92xf32>, vector<92x128xf32>, vector<1024x128xf32> -> vector<1024x128xf32>
    %swap3A = arith.constant 0 : index
    %swap3A_24 = arith.constant 0 : index
    %swap3A_25 = arith.constant 0 : index
    %swap3A_26 = vector.load %arg3[%swap3A, %swap3A_24, %swap3A_25] : memref<1024x4x128xf32, #tpu.memory_space<vmem>>, vector<1024x1x128xf32>
    %swap3A_27 = vector.shape_cast %swap3A_26 : vector<1024x1x128xf32> to vector<1024x128xf32>
    %swap3A_28 = vector.shape_cast %dot_general3A_23 : vector<1024x128xf32> to vector<1024x1x128xf32>
    tpu.vector_store %arg3[%swap3A, %swap3A_24, %swap3A_25], %swap3A_28 {strides = array<i32>} : memref<1024x4x128xf32, #tpu.memory_space<vmem>>, vector<1024x1x128xf32>,
    %get3A_29 = arith.constant 0 : index
    %get3A_30 = arith.constant 128 : index
    %get3A_31 = vector.load %arg2[%get3A_29, %get3A_30] : memref<92x512xf32, #tpu.memory_space<vmem>>, vector<92x128xf32>
    %dot_general3A_32 = arith.constant dense<0.000000e+00> : vector<1024x128xf32>
    %dot_general3A_33 = tpu.matmul %concatenate3A, %get3A_31, %dot_general3A_32 {dimension_numbers = #tpu.dot_dimension_numbers<[1], [0], [0], [1], [0, 0, 1, 1], [], []>, transpose_lhs_hint = false} : vector<1024x92xf32>, vector<92x128xf32>, vector<1024x128xf32> -> vector<1024x128xf32>
    %swap3A_34 = arith.constant 0 : index
    %swap3A_35 = arith.constant 1 : index
    %swap3A_36 = arith.constant 0 : index
    %swap3A_37 = vector.load %arg3[%swap3A_34, %swap3A_35, %swap3A_36] : memref<1024x4x128xf32, #tpu.memory_space<vmem>>, vector<1024x1x128xf32>
    %swap3A_38 = vector.shape_cast %swap3A_37 : vector<1024x1x128xf32> to vector<1024x128xf32>
    %swap3A_39 = vector.shape_cast %dot_general3A_33 : vector<1024x128xf32> to vector<1024x1x128xf32>
    tpu.vector_store %arg3[%swap3A_34, %swap3A_35, %swap3A_36], %swap3A_39 {strides = array<i32>} : memref<1024x4x128xf32, #tpu.memory_space<vmem>>, vector<1024x1x128xf32>,
    %get3A_40 = arith.constant 0 : index
    %get3A_41 = arith.constant 256 : index
    %get3A_42 = vector.load %arg2[%get3A_40, %get3A_41] : memref<92x512xf32, #tpu.memory_space<vmem>>, vector<92x128xf32>
    %dot_general3A_43 = arith.constant dense<0.000000e+00> : vector<1024x128xf32>
    %dot_general3A_44 = tpu.matmul %concatenate3A, %get3A_42, %dot_general3A_43 {dimension_numbers = #tpu.dot_dimension_numbers<[1], [0], [0], [1], [0, 0, 1, 1], [], []>, transpose_lhs_hint = false} : vector<1024x92xf32>, vector<92x128xf32>, vector<1024x128xf32> -> vector<1024x128xf32>
    %swap3A_45 = arith.constant 0 : index
    %swap3A_46 = arith.constant 2 : index
    %swap3A_47 = arith.constant 0 : index
    %swap3A_48 = vector.load %arg3[%swap3A_45, %swap3A_46, %swap3A_47] : memref<1024x4x128xf32, #tpu.memory_space<vmem>>, vector<1024x1x128xf32>
    %swap3A_49 = vector.shape_cast %swap3A_48 : vector<1024x1x128xf32> to vector<1024x128xf32>
    %swap3A_50 = vector.shape_cast %dot_general3A_44 : vector<1024x128xf32> to vector<1024x1x128xf32>
    tpu.vector_store %arg3[%swap3A_45, %swap3A_46, %swap3A_47], %swap3A_50 {strides = array<i32>} : memref<1024x4x128xf32, #tpu.memory_space<vmem>>, vector<1024x1x128xf32>,
    %get3A_51 = arith.constant 0 : index
    %get3A_52 = arith.constant 384 : index
    %get3A_53 = vector.load %arg2[%get3A_51, %get3A_52] : memref<92x512xf32, #tpu.memory_space<vmem>>, vector<92x128xf32>
    %dot_general3A_54 = arith.constant dense<0.000000e+00> : vector<1024x128xf32>
    %dot_general3A_55 = tpu.matmul %concatenate3A, %get3A_53, %dot_general3A_54 {dimension_numbers = #tpu.dot_dimension_numbers<[1], [0], [0], [1], [0, 0, 1, 1], [], []>, transpose_lhs_hint = false} : vector<1024x92xf32>, vector<92x128xf32>, vector<1024x128xf32> -> vector<1024x128xf32>
    %swap3A_56 = arith.constant 0 : index
    %swap3A_57 = arith.constant 3 : index
    %swap3A_58 = arith.constant 0 : index
    %swap3A_59 = vector.load %arg3[%swap3A_56, %swap3A_57, %swap3A_58] : memref<1024x4x128xf32, #tpu.memory_space<vmem>>, vector<1024x1x128xf32>
    %swap3A_60 = vector.shape_cast %swap3A_59 : vector<1024x1x128xf32> to vector<1024x128xf32>
    %swap3A_61 = vector.shape_cast %dot_general3A_55 : vector<1024x128xf32> to vector<1024x1x128xf32>
    tpu.vector_store %arg3[%swap3A_56, %swap3A_57, %swap3A_58], %swap3A_61 {strides = array<i32>} : memref<1024x4x128xf32, #tpu.memory_space<vmem>>, vector<1024x1x128xf32>,
    return
  }
  func.func @transform_0(%arg0: i32) -> (i32, i32) {
    %add3A = arith.constant 2 : i32
    %add3A_0 = arith.addi %arg0, %add3A : i32
    %c0_i32 = arith.constant 0 : i32
    %c0_i32_1 = arith.constant 0 : i32
    return %add3A_0, %c0_i32 : i32, i32
  }
  func.func @transform_1(%arg0: i32) -> (i32, i32) {
    %c0_i32 = arith.constant 0 : i32
    %c0_i32_0 = arith.constant 0 : i32
    %c0_i32_1 = arith.constant 0 : i32
    return %c0_i32, %c0_i32_0 : i32, i32
  }
  func.func @transform_2(%arg0: i32) -> (i32, i32, i32) {
    %add3A = arith.constant 2 : i32
    %add3A_0 = arith.addi %arg0, %add3A : i32
    %c0_i32 = arith.constant 0 : i32
    %c0_i32_1 = arith.constant 0 : i32
    %c0_i32_2 = arith.constant 0 : i32
    return %add3A_0, %c0_i32, %c0_i32_1 : i32, i32, i32
  }
}

</mosaic_0001>

<sc_bundles>
// kernel: kernel.6.cloned.1.call-start
scs
__scs_entry_jumppad:
0x0: {  	(pc) =	sbr.rel $0x88, $3  }
0x1: {  	(tag) =	ssettag $0x0;
	lr =	simm.s32 $0x1  }
0x2: {  	[smem:$0x3F9E] =	sst lr;
	_ =	strace $0xD0000000  }
0x3: {  	_ = 	snop  }
0x4: {  	_ = 	snop  }
0x5: {  	_ = 	snop  }
0x6: {  	_ = 	snop  }
0x7: {  	_ = 	snop  }
__scs_overlays_trampoline_lowered:
0x8: {  	[smem:$0x3FAD] =	sst s0  }
0x9: {  	[smem:$0x3FAE] =	sst s1  }
0xa: {  	[smem:$0x3FAF] =	sst s2  }
0xb: {  	[smem:$0x3FB0] =	sst s3  }
0xc: {  	[smem:$0x3FB1] =	sst s4  }
0xd: {  	[smem:$0x3FB2] =	sst s5  }
0xe: {  	[smem:$0x3FB3] =	sst s6  }
0xf: {  	[smem:$0x3FB4] =	sst s7  }
0x10: {  	[smem:$0x3FB5] =	sst s8  }
0x11: {  	[smem:$0x3FB6] =	sst s9;
	s0 =	simm.s32 @!p0 $0x0  }
0x12: {  	s1 =	sld [smem:$0x3F9C];
	s0 =	simm.s32 @p0 $0x1  }
0x13: {  	[smem:$0x3FB7] =	sst s0;
	s0 =	simm.s32 @!p1 $0x0  }
0x14: {  	s2 =	sld [smem:$0x3F9B];
	s0 =	simm.s32 @p1 $0x1  }
0x15: {  	[smem:$0x3FB8] =	sst s0;
	s0 =	simm.s32 @!p2 $0x0  }
0x16: {  	s3 =	sld [smem:$0x3FDB];
	s0 =	simm.s32 @p2 $0x1  }
0x17: {  	s4 =	simm.s32 $0x1BF5;
	[smem:$0x3FBA] =	sst s0  }
0x18: {  	s0 =	sld [smem:$0x3F9D];
	_ =	swait.ge [sflag:s4], $0x0  }
0x19: {  	s7 =	sld [smem:$0x3F9E]  }
0x1a: {  	s8 =	sadd.s32 $0xFFFFE003, lr  }
0x1b: {  	s9 =	sadd.s32 $0xFFFFFEF7, lr;
	s5 =	simm.s32 $0xFFFFFFFF;
	p2 =	slt.u32 s8, $0xFFFFF086  }
0x1c: {  	p1 =	slt.u32 s9, $0xF7A;
	s5 =	simm.s32 @!p2 $0x0  }
0x1d: {  	s5 =	simm.s32 @p1 $0x1;
	p0 =	seq.s32 s7, s2  }
0x1e: {  	s7 =	smul.u32 @!p0 $0xF7A, s2;
	p2 =	seq.s32 @!p0 s5, $0x0  }
0x1f: {  	s9 =	smul.u32 $0xF7A, s1;
	s8 =	simm.s32 @!p0 $0x1BF5;
	p2 =	por !p2, p0  }
0x20: {  	[sflag:s8] =	ssyncset.s32 @!p0 $0xFFFFF086;
	s6 =	sadd.s32 @!p0 s3, s7;
	s7 =	simm.s32 @!p0 $0x108  }
0x21: {  	s3 =	sadd.s32 s3, s9;
	s6 =	sadd.s32 @!p0 $0x88, s6;
	s7 =	simm.s32 @p2 $0x1082  }
0x22: {  	[simem:s7], [sflag:s8] =	dma.local @!p0 [hbm:s6], $0xF7A  }
0x23: {  	s9 =	sor.u32 $0xD0000000, s2;
	s6 =	simm.s32 $0x108;
	_ =	swait.ge @!p0 [sflag:s8], $0x0  }
0x24: {  	s3 =	sadd.s32 $0x88, s3;
	s6 =	simm.s32 @!p1 $0x1082;
	[sflag:s4] =	ssyncset.s32 $0xFFFFF086  }
0x25: {  	[simem:s6], [sflag:s4] =	dma.local [hbm:s3], $0xF7A  }
0x26: {  	[smem:$0x3F9E] =	sst s1;
	(tag) =	ssettag s2;
	_ =	strace s9  }
0x27: {  	s1 =	sld [smem:$0x3FAE]  }
0x28: {  	s2 =	sld [smem:$0x3FAF]  }
0x29: {  	s4 =	sld [smem:$0x3FB1]  }
0x2a: {  	p0 =	seq.s32 s5, $0x0;
	s5 =	sld [smem:$0x3FB2]  }
0x2b: {  	s6 =	sld [smem:$0x3FB3]  }
0x2c: {  	s7 =	sld [smem:$0x3FB4]  }
0x2d: {  	s3 =	simm.s32 $0x108;
	s8 =	sld [smem:$0x3FB5]  }
0x2e: {  	s3 =	simm.s32 @!p0 $0x1082;
	s9 =	sld [smem:$0x3FB6]  }
0x2f: {  	lr =	sadd.s32 s0, s3;
	s0 =	sld [smem:$0x3FAD]  }
0x30: {  	s3 =	sld [smem:$0x3FB0]  }
0x31: {  	[smem:$0x3FB9] =	sst s10  }
0x32: {  	s10 =	sld [smem:$0x3FB7];
	_ =	sdelay $0x3  }
0x33: {  	p0 =	seq.s32 s10, $0x1;
	s10 =	sld [smem:$0x3FB9];
	_ =	sdelay $0x3  }
0x34: {  	[smem:$0x3FB9] =	sst s10  }
0x35: {  	s10 =	sld [smem:$0x3FB8];
	_ =	sdelay $0x3  }
0x36: {  	p1 =	seq.s32 s10, $0x1;
	s10 =	sld [smem:$0x3FB9];
	_ =	sdelay $0x3  }
0x37: {  	[smem:$0x3FB9] =	sst s10  }
0x38: {  	s10 =	sld [smem:$0x3FBA]  }
0x39: {  	_ = 	snop;
	(pc) =	sbr.ind lr, $3  }
0x3a: {  	_ = 	snop  }
0x3b: {  	_ = 	snop  }
0x3c: {  	p2 =	seq.s32 s10, $0x1;
	s10 =	sld [smem:$0x3FB9]  }
0x3d: {  	_ =	shalt  }
0x3e: {  	_ =	shalt  }
0x3f: {  	_ =	shalt  }
0x40: {  	_ =	shalt  }
0x41: {  	_ =	shalt  }
0x42: {  	_ =	shalt  }
0x43: {  	_ =	shalt  }
0x44: {  	_ =	shalt  }
0x45: {  	_ =	shalt  }
0x46: {  	_ =	shalt  }
0x47: {  	_ =	shalt  }
0x48: {  	_ =	shalt  }
0x49: {  	_ =	shalt  }
0x4a: {  	_ =	shalt  }
0x4b: {  	_ =	shalt  }
0x4c: {  	_ =	shalt  }
0x4d: {  	_ =	shalt  }
0x4e: {  	_ =	shalt  }
0x4f: {  	_ =	shalt  }
0x50: {  	_ =	shalt  }
0x51: {  	_ =	shalt  }
0x52: {  	_ =	shalt  }
0x53: {  	_ =	shalt  }
0x54: {  	_ =	shalt  }
0x55: {  	_ =	shalt  }
0x56: {  	_ =	shalt  }
0x57: {  	_ =	shalt  }
0x58: {  	_ =	shalt  }
0x59: {  	_ =	shalt  }
0x5a: {  	_ =	shalt  }
0x5b: {  	_ =	shalt  }
0x5c: {  	_ =	shalt  }
0x5d: {  	_ =	shalt  }
0x5e: {  	_ =	shalt  }
0x5f: {  	_ =	shalt  }
0x60: {  	_ =	shalt  }
0x61: {  	_ =	shalt  }
0x62: {  	_ =	shalt  }
0x63: {  	_ =	shalt  }
0x64: {  	_ =	shalt  }
0x65: {  	_ =	shalt  }
0x66: {  	_ =	shalt  }
0x67: {  	_ =	shalt  }
0x68: {  	_ =	shalt  }
0x69: {  	_ =	shalt  }
0x6a: {  	_ =	shalt  }
0x6b: {  	_ =	shalt  }
0x6c: {  	_ =	shalt  }
0x6d: {  	_ =	shalt  }
0x6e: {  	_ =	shalt  }
0x6f: {  	_ =	shalt  }
0x70: {  	_ =	shalt  }
0x71: {  	_ =	shalt  }
0x72: {  	_ =	shalt  }
0x73: {  	_ =	shalt  }
0x74: {  	_ =	shalt  }
0x75: {  	_ =	shalt  }
0x76: {  	_ =	shalt  }
0x77: {  	_ =	shalt  }
0x78: {  	_ =	shalt  }
0x79: {  	_ =	shalt  }
0x7a: {  	_ =	shalt  }
0x7b: {  	_ =	shalt  }
0x7c: {  	_ =	shalt  }
0x7d: {  	_ =	shalt  }
0x7e: {  	_ =	shalt  }
0x7f: {  	_ =	shalt  }
0x80: {  	_ =	shalt  }
0x81: {  	_ =	shalt  }
0x82: {  	_ =	shalt  }
0x83: {  	_ =	shalt  }
0x84: {  	_ =	shalt  }
0x85: {  	_ =	shalt  }
0x86: {  	_ =	shalt  }
0x87: {  	_ =	shalt  }
.Lfunc_end0:
.L_simem_size_0:
called_computation_lowered:
.L_overlay_start_0:
0x88: {  	s2 =	sld [smem:$0x3FD9]  }
0x89: {  	s3 =	sld [smem:$0x3FFE];
	_ =	sdelay $0x1  }
0x8a: {  	s1 =	srdreg.scid  }
0x8b: {  	s0 =	sand.u32 $0x1, s1  }
0x8c: {  	s16 =	sshll.u32 s0, $0xA;
	s2 =	sadd.s32 s3, s2  }
0x8d: {  	s2 =	sadd.s32 s2, s16  }
0x8e: {  	[smem:$0x3FC5] =	sst s2  }
0x8f: {  	_ = 	snop  }
0x90: {  	(tm) =	ssettm $0x1  }
0x91: {  	s17 =	sld [smem:$0x3FFB];
	_ =	sdelay $0x3  }
0x92: {  	_ =	strace s17  }
0x93: {  	s2 =	sld [smem:$0x3FFC];
	_ =	sdelay $0x3  }
0x94: {  	_ =	strace s2  }
0x95: {  	s2 =	sld [smem:$0x3FFD];
	_ =	sdelay $0x3  }
0x96: {  	_ =	strace s2  }
0x97: {  	_ =	strace $0x8FFFFFFF  }
0x98: {  	s18 =	sld [smem:$0x3FDB];
	_ =	sdelay $0x1  }
0x99: {  	s19 =	simm.s32 $_scs_section_size  }
0x9a: {  	s4 =	simm.s32 $_size__tile_overlayer_lowered;
	s5 =	simm.s32 $_tile_overlayer_lowered  }
0x9b: {  	s22 =	simm.s32 $0x1BFF;
	s21 =	sshll.u32 s5, $0x1;
	s2 =	sadd.s32 s19, s18  }
0x9c: {  	s6 =	simm.s32 $0x0;
	s20 =	sshll.u32 s4, $0x1;
	s4 =	sadd.s32 s21, s2  }
0x9d: {  	[timem:s6], [sflag:s22] =	dma.local [hbm:s4], s20  }
0x9e: {  	_ =	swait.ge [sflag:s22], s20  }
0x9f: {  	s3 =	ssub.s32 $0x0, s20;
	[sflag:s22] =	ssyncset.done $0x0  }
0xa0: {  	[sflag:s22] =	ssyncadd.s32 s3;
	_ =	sdelay $0x1  }
0xa1: {  	s23 =	simm.s32 $0x1B8B  }
0xa2: {  	_ =	swait.ge [sflag:s23], $0x1  }
0xa3: {  	[sflag:s23] =	ssyncset.done $0x0  }
0xa4: {  	s25 =	simm.s32 $0x1B8E;
	s24 =	sld [smem:$0x3FFE];
	[sflag:s23] =	ssyncadd.s32 $0xFFFFFFFF  }
0xa5: {  	s26 =	simm.s32 $execute0_lowered;
	[smem:$0x3FD2] =	sst s25  }
0xa6: {  	s4 =	sshll.u32 s26, $0x1;
	_ =	strace $0x80000046;
	[dreg:$0x1] =	wrdreg $0xFFFFFFFF  }
0xa7: {  	s28 =	simm.s32 $_size_execute0_lowered;
	s2 =	sadd.s32 s2, s4;
	[dreg:$0x0] =	wrdreg $0x0  }
0xa8: {  	s4 =	sshll.u32 s28, $0x1;
	[dreg:$0x2] =	wrdreg s2  }
0xa9: {  	[dreg:$0x3] =	wrdreg s4  }
0xaa: {  	[dreg:$0x4] =	wrdreg $0xC0  }
0xab: {  	_ =	task [dreg:s6], $0x5FFFF  }
0xac: {  	[dreg:$0x1] =	wrdreg $0xFFFFFFFF  }
0xad: {  	[dreg:$0x0] =	wrdreg $0x60  }
0xae: {  	[dreg:$0x2] =	wrdreg s24  }
0xaf: {  	[dreg:$0x3] =	wrdreg $0xC3000  }
0xb0: {  	[dreg:$0x4] =	wrdreg $0x9  }
0xb1: {  	_ =	task.clear_ibuf [dreg:s6], $0x5FFFF;
	_ =	strace $0x90000046  }
0xb2: {  	s29 =	simm.s32 $0x9;
	_ =	strace $0x80000048  }
0xb3: {  	_ =	swait.ge [sflag:s29], $0x1  }
0xb4: {  	[sflag:s29] =	ssyncadd.s32 $0xFFFFFFFF  }
0xb5: {  	_ =	strace $0x90000048  }
0xb6: {  	_ =	sfence  }
0xb7: {  	s30 =	sld [smem:$0x0];
	_ =	sdelay $0x2  }
0xb8: {  	s31 =	sshll.u32 s1, $0xD;
	s1 =	sshrl.u32 s1, $0x2  }
0xb9: {  	s3 =	sand.u32 $0x4000, s31;
	s1 =	sadd.s32 s1, s30  }
0xba: {  	s0 =	sor.u32 s3, s0;
	s1 =	sshll.u32 s1, $0x11  }
0xbb: {  	s0 =	sor.u32 s1, s0  }
0xbc: {  	s0 =	sadd.s32 $0x8F2B, s0  }
0xbd: {  	[sflag:s0] =	ssyncadd.remote.s32 $0x1  }
0xbe: {  	_ =	sfence.sel $0xFFFF  }
0xbf: {  	[dreg:$0x0] =	wrdreg $0xFFFFFFFF;
	(pc) =	sbr.abs _section_cstart, $3  }
0xc0: {  	[dreg:$0x1] =	wrdreg $0xFFFFFFFF  }
0xc1: {  	_ =	task.clear_ibuf [dreg:s6], $0x2FFFF;
	_ =	strace $0x9FFFFFFF  }
0xc2: {  	(tm) =	ssettm $0x7FFFFFFF  }
0xc3: {  	_ =	shalt  }
tec
execute0_lowered:
.L_overlay_start_1:
0x0: {  	(tag) =	ssettag $0x1  }
0x1: {  	s3 =	rddreg [dreg:$0x0]  }
0x2: {  	s2 =	rddreg [dreg:$0x1]  }
0x3: {  	s0 =	rddreg [dreg:$0x2]  }
0x4: {  	s1 =	simm.s32 $0x0;
	s4 =	srdreg.scid;
	s6 =	stileid.u32  }
0x5: {  	s18 =	simm.s32 $0x100;
	s19 =	simm.s32 $0x200;
	s13 =	simm.s32 $0x1  }
0x6: {  	p1 =	por $0x0, $0x0;
	[smem:$0x7FF] =	sst s1;
	s14 =	sadd.s32 $0x1E00, s3  }
0x7: {  	s5 =	sadd.s32 $0x7200, s3;
	s4 =	sand.u32 $0x1, s4;
	s7 =	sadd.s32 $0x7600, s3  }
0x8: {  	s8 =	sshll.u32 s6, $0x9;
	s10 =	sadd.s32 $0x7A00, s3;
	s3 =	sadd.s32 $0x7E00, s3  }
0x9: {  	p0 =	sne.s32 s6, $0x0;
	s9 =	sshll.u32 s4, $0x8;
	s4 =	ssub.s32 $0x2, s4  }
0xa: {  	s6 =	simm.s32 $0x4300;
	_ =	strace $0x80000047;
	s26 =	sshrl.u32 s4, $0x1  }
0xb: {  	s23 =	sshrl.u32 @!p0 s2, $0x3;
	s8 =	sor.u32 s9, s8;
	s9 =	ssub.s32 s4, s26  }
0xc: {  	s11 =	sshrl.u32 s8, $0x3;
	s12 =	sor.u32 $0x80, s8;
	s31 =	smax.u32 s9, $0x1  }
0xd: {  	s29 =	sshll.u32 s8, $0x4;
	s8 =	simm.s32 $0x3;
	s26 =	sadd.s32 $0xFFFFFFFF, s31  }
0xe: {  	s20 =	sadd.s32 s5, s11;
	s21 =	sadd.s32 s7, s11;
	p2 =	sne.s32 s26, $0x0  }
.Ltmp0:
0xf: {  	s22 =	sadd.s32 s10, s11;
	s28 =	sshrl.u32 s12, $0x3;
	(pc) =	sbr.rel @!p2 .LBB2_3-.Ltmp0, $4  }
0x10: {  	s4 =	sadd.s32 s3, s29;
	s30 =	sshll.u32 s12, $0x4;
	s11 =	simm.s32 $0x300  }
0x11: {  	s9 =	simm.s32 $0x180;
	s12 =	simm.s32 $0x2;
	s15 =	sadd.s32 s5, s28  }
0x12: {  	s16 =	sadd.s32 s7, s28;
	s17 =	sadd.s32 s10, s28;
	s3 =	sadd.s32 s3, s30  }
0x13: {  	s7 =	simm.s32 $0x80;
	s10 =	simm.s32 $0x280;
	s5 =	simm.s32 $0x4  }
0x14: {  	s24 =	simm.s32 @!p0 $0x1C05;
	s25 =	simm.s32 @!p0 $0x5  }
0x15: {  	[spmem:s23], [sflag:s24] =	dma.local @!p0 [hbm:s14], $0x5280  }
0x16: {  	_ =	swait.ge @!p0 [sflag:s25], $0x5280  }
0x17: {  	[sflag:s25] =	ssyncset.done @!p0 $0x0  }
0x18: {  	[sflag:s25] =	ssyncadd.s32 @!p0 $0xFFFFAD80  }
0x19: {  	[bflag:$0x0] =	sbarrier.arrive $0xFFFF  }
0x1a: {  	[tilespmem:s1], [sflag:$0x1] =	stream.linear.gather [hbm4b:s20+s1], $0x80, $0x38;
	[tilespmem:$0xEC40] =	vst v63  }
0x1b: {  	_ = 	snop  }
0x1c: {  	[tilespmem:s18], [sflag:$0x1] =	stream.linear.gather [hbm4b:s21+s1], $0x80, $0x38;
	[tilespmem:$0xEC40] =	vst v63  }
0x1d: {  	_ = 	snop  }
0x1e: {  	[tilespmem:s19], [sflag:$0x1] =	stream.linear.gather [hbm4b:s22+s1], $0x80, $0x38;
	[tilespmem:$0xEC40] =	vst v63  }
0x1f: {  	_ =	swait.ge [sflag:s13], $0x80  }
0x20: {  	[sflag:s13] =	ssyncset.done $0x0  }
0x21: {  	[sflag:s13] =	ssyncadd.s32 $0xFFFFFF80  }
0x22: {  	_ =	swait.ge [sflag:s13], $0x80  }
0x23: {  	[sflag:s13] =	ssyncset.done $0x0  }
0x24: {  	[sflag:s13] =	ssyncadd.s32 $0xFFFFFF80  }
0x25: {  	_ =	swait.ge [sflag:s13], $0x80  }
0x26: {  	[sflag:s13] =	ssyncset.done $0x0  }
0x27: {  	[sflag:s13] =	ssyncadd.s32 $0xFFFFFF80  }
0x28: {  	[tilespmem:s11], [sflag:$0x2] =	stream.indirect.gather [spmem:s2], $0x80, s1, s7, $0xb8;
	[tilespmem:$0xEC40] =	vst v63  }
0x29: {  	_ = 	snop  }
0x2a: {  	[tilespmem:s7], [sflag:$0x1] =	stream.linear.gather [hbm4b:s15+s1], $0x80, $0x38;
	[tilespmem:$0xEC40] =	vst v63  }
0x2b: {  	_ = 	snop  }
0x2c: {  	[tilespmem:s9], [sflag:$0x1] =	stream.linear.gather [hbm4b:s16+s1], $0x80, $0x38;
	[tilespmem:$0xEC40] =	vst v63  }
0x2d: {  	_ = 	snop  }
0x2e: {  	[tilespmem:s10], [sflag:$0x1] =	stream.linear.gather [hbm4b:s17+s1], $0x80, $0x38;
	[tilespmem:$0xEC40] =	vst v63  }
0x2f: {  	_ =	swait.ge [sflag:s12], $0x4000  }
0x30: {  	[sflag:s12] =	ssyncset.done $0x0  }
0x31: {  	[sflag:s12] =	ssyncadd.s32 $0xFFFFC000  }
0x32: {  	[tilespmem:s11], [sflag:$0x3] =	stream.indirect.gather.add.f32 [spmem:s2], $0x80, s18, s7, $0xb8;
	[tilespmem:$0xEC40] =	vst v63  }
0x33: {  	_ = 	snop  }
0x34: {  	[tilespmem:s11], [sflag:$0x3] =	stream.indirect.gather.add.f32 [spmem:s2], $0x80, s19, s7, $0xb8;
	[tilespmem:$0xEC40] =	vst v63  }
0x35: {  	_ =	swait.ge [sflag:s13], $0x80  }
0x36: {  	[sflag:s13] =	ssyncset.done $0x0  }
0x37: {  	[sflag:s13] =	ssyncadd.s32 $0xFFFFFF80  }
0x38: {  	_ =	swait.ge [sflag:s13], $0x80  }
0x39: {  	[sflag:s13] =	ssyncset.done $0x0  }
0x3a: {  	[sflag:s13] =	ssyncadd.s32 $0xFFFFFF80  }
0x3b: {  	_ =	swait.ge [sflag:s13], $0x80  }
0x3c: {  	[sflag:s13] =	ssyncset.done $0x0  }
0x3d: {  	[sflag:s13] =	ssyncadd.s32 $0xFFFFFF80  }
0x3e: {  	[tilespmem:s6], [sflag:$0x2] =	stream.indirect.gather [spmem:s2], $0x80, s7, s7, $0xb8;
	[tilespmem:$0xEC40] =	vst v63  }
0x3f: {  	_ =	swait.ge [sflag:s8], $0x4000  }
0x40: {  	[sflag:s8] =	ssyncset.done $0x0  }
0x41: {  	[sflag:s8] =	ssyncadd.s32 $0xFFFFC000  }
0x42: {  	_ =	swait.ge [sflag:s8], $0x4000  }
0x43: {  	[sflag:s8] =	ssyncset.done $0x0  }
0x44: {  	[sflag:s8] =	ssyncadd.s32 $0xFFFFC000  }
0x45: {  	[hbm4b:s4+s1] =	stream.linear.scatter [tilespmem:s11], [sflag:$0x4], $0x4000, $0x38;
	[tilespmem:$0xEC40] =	vst v63  }
0x46: {  	_ =	swait.ge [sflag:s12], $0x4000  }
0x47: {  	[sflag:s12] =	ssyncset.done $0x0  }
0x48: {  	[sflag:s12] =	ssyncadd.s32 $0xFFFFC000  }
0x49: {  	[tilespmem:s6], [sflag:$0x3] =	stream.indirect.gather.add.f32 [spmem:s2], $0x80, s9, s7, $0xb8;
	[tilespmem:$0xEC40] =	vst v63  }
0x4a: {  	_ = 	snop  }
0x4b: {  	[tilespmem:s6], [sflag:$0x3] =	stream.indirect.gather.add.f32 [spmem:s2], $0x80, s10, s7, $0xb8;
	[tilespmem:$0xEC40] =	vst v63  }
0x4c: {  	_ =	swait.ge [sflag:s8], $0x4000  }
0x4d: {  	[sflag:s8] =	ssyncset.done $0x0  }
0x4e: {  	[sflag:s8] =	ssyncadd.s32 $0xFFFFC000  }
0x4f: {  	_ =	swait.ge [sflag:s8], $0x4000  }
0x50: {  	s26 =	sadd.s32 $0xFFFFFFFF, s26;
	[sflag:s8] =	ssyncset.done $0x0  }
0x51: {  	p2 =	sne.s32 s26, $0x0;
	[sflag:s8] =	ssyncadd.s32 $0xFFFFC000  }
0x52: {  	[hbm4b:s3+s1] =	stream.linear.scatter [tilespmem:s6], [sflag:$0x4], $0x4000, $0x38;
	[tilespmem:$0xEC40] =	vst v63  }
.Ltmp1:
0x53: {  	_ =	swait.ge [sflag:s5], $0x4000;
	(pc) =	sbr.rel @!p2 .LBB2_3-.Ltmp1, $4  }
0x54: {  	[sflag:s5] =	ssyncset.done $0x0  }
0x55: {  	[sflag:s5] =	ssyncadd.s32 $0xFFFFC000  }
0x56: {  	_ =	swait.ge [sflag:s5], $0x4000  }
0x57: {  	p1 =	por $0x1, $0x1;
	[sflag:s5] =	ssyncset.done $0x0  }
.LBB2_2:
0x58: {  	[sflag:s5] =	ssyncadd.s32 $0xFFFFC000  }
0x59: {  	[spmem:s23], [sflag:s24] =	dma.local @!p0 [hbm:s14], $0x5280  }
0x5a: {  	s26 =	sadd.s32 $0xFFFFFFFF, s26;
	_ =	swait.ge @!p0 [sflag:s25], $0x5280  }
0x5b: {  	p2 =	sne.s32 s26, $0x0;
	[sflag:s25] =	ssyncset.done @!p0 $0x0  }
0x5c: {  	[sflag:s25] =	ssyncadd.s32 @!p0 $0xFFFFAD80  }
0x5d: {  	[bflag:$0x0] =	sbarrier.arrive $0xFFFF  }
0x5e: {  	[tilespmem:s1], [sflag:$0x1] =	stream.linear.gather [hbm4b:s20+s1], $0x80, $0x38;
	[tilespmem:$0xEC40] =	vst v63  }
0x5f: {  	_ = 	snop  }
0x60: {  	[tilespmem:s18], [sflag:$0x1] =	stream.linear.gather [hbm4b:s21+s1], $0x80, $0x38;
	[tilespmem:$0xEC40] =	vst v63  }
0x61: {  	_ = 	snop  }
0x62: {  	[tilespmem:s19], [sflag:$0x1] =	stream.linear.gather [hbm4b:s22+s1], $0x80, $0x38;
	[tilespmem:$0xEC40] =	vst v63  }
0x63: {  	_ =	swait.ge [sflag:s13], $0x80  }
0x64: {  	[sflag:s13] =	ssyncset.done $0x0  }
0x65: {  	[sflag:s13] =	ssyncadd.s32 $0xFFFFFF80  }
0x66: {  	_ =	swait.ge [sflag:s13], $0x80  }
0x67: {  	[sflag:s13] =	ssyncset.done $0x0  }
0x68: {  	[sflag:s13] =	ssyncadd.s32 $0xFFFFFF80  }
0x69: {  	_ =	swait.ge [sflag:s13], $0x80  }
0x6a: {  	[sflag:s13] =	ssyncset.done $0x0  }
0x6b: {  	[sflag:s13] =	ssyncadd.s32 $0xFFFFFF80  }
0x6c: {  	[tilespmem:s11], [sflag:$0x2] =	stream.indirect.gather [spmem:s2], $0x80, s1, s7, $0xb8;
	[tilespmem:$0xEC40] =	vst v63  }
0x6d: {  	_ = 	snop  }
0x6e: {  	[tilespmem:s7], [sflag:$0x1] =	stream.linear.gather [hbm4b:s15+s1], $0x80, $0x38;
	[tilespmem:$0xEC40] =	vst v63  }
0x6f: {  	_ = 	snop  }
0x70: {  	[tilespmem:s9], [sflag:$0x1] =	stream.linear.gather [hbm4b:s16+s1], $0x80, $0x38;
	[tilespmem:$0xEC40] =	vst v63  }
0x71: {  	_ = 	snop  }
0x72: {  	[tilespmem:s10], [sflag:$0x1] =	stream.linear.gather [hbm4b:s17+s1], $0x80, $0x38;
	[tilespmem:$0xEC40] =	vst v63  }
0x73: {  	_ =	swait.ge [sflag:s12], $0x4000  }
0x74: {  	[sflag:s12] =	ssyncset.done $0x0  }
0x75: {  	[sflag:s12] =	ssyncadd.s32 $0xFFFFC000  }
0x76: {  	[tilespmem:s11], [sflag:$0x3] =	stream.indirect.gather.add.f32 [spmem:s2], $0x80, s18, s7, $0xb8;
	[tilespmem:$0xEC40] =	vst v63  }
0x77: {  	_ = 	snop  }
0x78: {  	[tilespmem:s11], [sflag:$0x3] =	stream.indirect.gather.add.f32 [spmem:s2], $0x80, s19, s7, $0xb8;
	[tilespmem:$0xEC40] =	vst v63  }
0x79: {  	_ =	swait.ge [sflag:s13], $0x80  }
0x7a: {  	[sflag:s13] =	ssyncset.done $0x0  }
0x7b: {  	[sflag:s13] =	ssyncadd.s32 $0xFFFFFF80  }
0x7c: {  	_ =	swait.ge [sflag:s13], $0x80  }
0x7d: {  	[sflag:s13] =	ssyncset.done $0x0  }
0x7e: {  	[sflag:s13] =	ssyncadd.s32 $0xFFFFFF80  }
0x7f: {  	_ =	swait.ge [sflag:s13], $0x80  }
0x80: {  	[sflag:s13] =	ssyncset.done $0x0  }
0x81: {  	[sflag:s13] =	ssyncadd.s32 $0xFFFFFF80  }
0x82: {  	[tilespmem:s6], [sflag:$0x2] =	stream.indirect.gather [spmem:s2], $0x80, s7, s7, $0xb8;
	[tilespmem:$0xEC40] =	vst v63  }
0x83: {  	_ =	swait.ge [sflag:s8], $0x4000  }
0x84: {  	[sflag:s8] =	ssyncset.done $0x0  }
0x85: {  	[sflag:s8] =	ssyncadd.s32 $0xFFFFC000  }
0x86: {  	_ =	swait.ge [sflag:s8], $0x4000  }
0x87: {  	[sflag:s8] =	ssyncset.done $0x0  }
0x88: {  	[sflag:s8] =	ssyncadd.s32 $0xFFFFC000  }
0x89: {  	[hbm4b:s4+s1] =	stream.linear.scatter [tilespmem:s11], [sflag:$0x4], $0x4000, $0x38;
	[tilespmem:$0xEC40] =	vst v63  }
0x8a: {  	_ =	swait.ge [sflag:s12], $0x4000  }
0x8b: {  	[sflag:s12] =	ssyncset.done $0x0  }
0x8c: {  	[sflag:s12] =	ssyncadd.s32 $0xFFFFC000  }
0x8d: {  	[tilespmem:s6], [sflag:$0x3] =	stream.indirect.gather.add.f32 [spmem:s2], $0x80, s9, s7, $0xb8;
	[tilespmem:$0xEC40] =	vst v63  }
0x8e: {  	_ = 	snop  }
0x8f: {  	[tilespmem:s6], [sflag:$0x3] =	stream.indirect.gather.add.f32 [spmem:s2], $0x80, s10, s7, $0xb8;
	[tilespmem:$0xEC40] =	vst v63  }
0x90: {  	_ =	swait.ge [sflag:s8], $0x4000  }
0x91: {  	[sflag:s8] =	ssyncset.done $0x0  }
0x92: {  	[sflag:s8] =	ssyncadd.s32 $0xFFFFC000  }
0x93: {  	_ =	swait.ge [sflag:s8], $0x4000  }
0x94: {  	[sflag:s8] =	ssyncset.done $0x0  }
0x95: {  	[sflag:s8] =	ssyncadd.s32 $0xFFFFC000  }
0x96: {  	[hbm4b:s3+s1] =	stream.linear.scatter [tilespmem:s6], [sflag:$0x4], $0x4000, $0x38;
	[tilespmem:$0xEC40] =	vst v63  }
.Ltmp2:
0x97: {  	_ =	swait.ge [sflag:s5], $0x4000;
	(pc) =	sbr.rel @p2 .LBB2_2-.Ltmp2, $4  }
0x98: {  	[sflag:s5] =	ssyncset.done $0x0  }
0x99: {  	[sflag:s5] =	ssyncadd.s32 $0xFFFFC000  }
0x9a: {  	_ =	swait.ge [sflag:s5], $0x4000  }
0x9b: {  	[sflag:s5] =	ssyncset.done $0x0  }
.LBB2_3:
0x9c: {  	s24 =	simm.s32 @!p0 $0x1C05;
	s25 =	simm.s32 @!p0 $0x5;
	[sflag:s5] =	ssyncadd.s32 @p1 $0xFFFFC000  }
0x9d: {  	[spmem:s23], [sflag:s24] =	dma.local @!p0 [hbm:s14], $0x5280  }
0x9e: {  	_ =	swait.ge @!p0 [sflag:s25], $0x5280  }
0x9f: {  	[sflag:s25] =	ssyncset.done @!p0 $0x0  }
0xa0: {  	[sflag:s25] =	ssyncadd.s32 @!p0 $0xFFFFAD80  }
0xa1: {  	[bflag:$0x0] =	sbarrier.arrive $0xFFFF  }
0xa2: {  	[tilespmem:s1], [sflag:$0x1] =	stream.linear.gather [hbm4b:s20+s1], $0x80, $0x38;
	[tilespmem:$0xEC40] =	vst v63  }
0xa3: {  	_ = 	snop  }
0xa4: {  	[tilespmem:s18], [sflag:$0x1] =	stream.linear.gather [hbm4b:s21+s1], $0x80, $0x38;
	[tilespmem:$0xEC40] =	vst v63  }
0xa5: {  	_ = 	snop  }
0xa6: {  	[tilespmem:s19], [sflag:$0x1] =	stream.linear.gather [hbm4b:s22+s1], $0x80, $0x38;
	[tilespmem:$0xEC40] =	vst v63  }
0xa7: {  	_ =	swait.ge [sflag:s13], $0x80  }
0xa8: {  	[sflag:s13] =	ssyncset.done $0x0  }
0xa9: {  	[sflag:s13] =	ssyncadd.s32 $0xFFFFFF80  }
0xaa: {  	_ =	swait.ge [sflag:s13], $0x80  }
0xab: {  	[sflag:s13] =	ssyncset.done $0x0  }
0xac: {  	[sflag:s13] =	ssyncadd.s32 $0xFFFFFF80  }
0xad: {  	_ =	swait.ge [sflag:s13], $0x80  }
0xae: {  	[sflag:s13] =	ssyncset.done $0x0  }
0xaf: {  	[sflag:s13] =	ssyncadd.s32 $0xFFFFFF80  }
0xb0: {  	[tilespmem:s11], [sflag:$0x2] =	stream.indirect.gather [spmem:s2], $0x80, s1, s7, $0xb8;
	[tilespmem:$0xEC40] =	vst v63  }
0xb1: {  	_ = 	snop  }
0xb2: {  	[tilespmem:s7], [sflag:$0x1] =	stream.linear.gather [hbm4b:s15+s1], $0x80, $0x38;
	[tilespmem:$0xEC40] =	vst v63  }
0xb3: {  	_ = 	snop  }
0xb4: {  	[tilespmem:s9], [sflag:$0x1] =	stream.linear.gather [hbm4b:s16+s1], $0x80, $0x38;
	[tilespmem:$0xEC40] =	vst v63  }
0xb5: {  	_ = 	snop  }
0xb6: {  	[tilespmem:s10], [sflag:$0x1] =	stream.linear.gather [hbm4b:s17+s1], $0x80, $0x38;
	[tilespmem:$0xEC40] =	vst v63  }
0xb7: {  	_ =	swait.ge [sflag:s12], $0x4000  }
0xb8: {  	[sflag:s12] =	ssyncset.done $0x0  }
0xb9: {  	[sflag:s12] =	ssyncadd.s32 $0xFFFFC000  }
0xba: {  	[tilespmem:s11], [sflag:$0x3] =	stream.indirect.gather.add.f32 [spmem:s2], $0x80, s18, s7, $0xb8;
	[tilespmem:$0xEC40] =	vst v63  }
0xbb: {  	_ = 	snop  }
0xbc: {  	[tilespmem:s11], [sflag:$0x3] =	stream.indirect.gather.add.f32 [spmem:s2], $0x80, s19, s7, $0xb8;
	[tilespmem:$0xEC40] =	vst v63  }
0xbd: {  	_ =	swait.ge [sflag:s13], $0x80  }
0xbe: {  	[sflag:s13] =	ssyncset.done $0x0  }
0xbf: {  	[sflag:s13] =	ssyncadd.s32 $0xFFFFFF80  }
0xc0: {  	_ =	swait.ge [sflag:s13], $0x80  }
0xc1: {  	[sflag:s13] =	ssyncset.done $0x0  }
0xc2: {  	[sflag:s13] =	ssyncadd.s32 $0xFFFFFF80  }
0xc3: {  	_ =	swait.ge [sflag:s13], $0x80  }
0xc4: {  	[sflag:s13] =	ssyncset.done $0x0  }
0xc5: {  	[sflag:s13] =	ssyncadd.s32 $0xFFFFFF80  }
0xc6: {  	[tilespmem:s6], [sflag:$0x2] =	stream.indirect.gather [spmem:s2], $0x80, s7, s7, $0xb8;
	[tilespmem:$0xEC40] =	vst v63  }
0xc7: {  	_ =	swait.ge [sflag:s8], $0x4000  }
0xc8: {  	[sflag:s8] =	ssyncset.done $0x0  }
0xc9: {  	[sflag:s8] =	ssyncadd.s32 $0xFFFFC000  }
0xca: {  	_ =	swait.ge [sflag:s8], $0x4000  }
0xcb: {  	[sflag:s8] =	ssyncset.done $0x0  }
0xcc: {  	[sflag:s8] =	ssyncadd.s32 $0xFFFFC000  }
0xcd: {  	[hbm4b:s4+s1] =	stream.linear.scatter [tilespmem:s11], [sflag:$0x4], $0x4000, $0x38;
	[tilespmem:$0xEC40] =	vst v63  }
0xce: {  	_ =	swait.ge [sflag:s12], $0x4000  }
0xcf: {  	[sflag:s12] =	ssyncset.done $0x0  }
0xd0: {  	[sflag:s12] =	ssyncadd.s32 $0xFFFFC000  }
0xd1: {  	[tilespmem:s6], [sflag:$0x3] =	stream.indirect.gather.add.f32 [spmem:s2], $0x80, s9, s7, $0xb8;
	[tilespmem:$0xEC40] =	vst v63  }
0xd2: {  	_ = 	snop  }
0xd3: {  	[tilespmem:s6], [sflag:$0x3] =	stream.indirect.gather.add.f32 [spmem:s2], $0x80, s10, s7, $0xb8;
	[tilespmem:$0xEC40] =	vst v63  }
0xd4: {  	_ =	swait.ge [sflag:s8], $0x4000  }
0xd5: {  	[sflag:s8] =	ssyncset.done $0x0  }
0xd6: {  	[sflag:s8] =	ssyncadd.s32 $0xFFFFC000  }
0xd7: {  	_ =	swait.ge [sflag:s8], $0x4000  }
0xd8: {  	[sflag:s8] =	ssyncset.done $0x0  }
0xd9: {  	[sflag:s8] =	ssyncadd.s32 $0xFFFFC000  }
0xda: {  	[hbm4b:s3+s1] =	stream.linear.scatter [tilespmem:s6], [sflag:$0x4], $0x4000, $0x38;
	[tilespmem:$0xEC40] =	vst v63  }
0xdb: {  	_ =	swait.ge [sflag:s5], $0x4000  }
0xdc: {  	[sflag:s5] =	ssyncset.done $0x0  }
0xdd: {  	[sflag:s5] =	ssyncadd.s32 $0xFFFFC000  }
0xde: {  	_ =	swait.ge [sflag:s5], $0x4000  }
0xdf: {  	[sflag:s5] =	ssyncset.done $0x0  }
0xe0: {  	[sflag:s5] =	ssyncadd.s32 $0xFFFFC000  }
0xe1: {  	_ =	sfence.sel $0x180000  }
0xe2: {  	[bflag:$0x0] =	sbarrier.arrive $0xFFFF  }
0xe3: {  	_ =	strace $0x90000047  }
0xe4: {  	s0 =	sadd.s32 @!p0 $0x100000, s0;
	[bflag:$0x2] =	sbarrier.arrive $0xFFFF  }
0xe5: {  	[sflag:s0] =	ssyncadd.tile.s32 @!p0 $0x1;
	_ =	shalt  }
.Lfunc_end2:
_tile_overlayer_lowered:
.L_overlay_start_2:
0xe6: {  	(tag) =	ssettag $0x2  }
0xe7: {  	s0 =	rddreg [dreg:$0x0];
	s2 =	stileid.u32  }
0xe8: {  	s1 =	rddreg [dreg:$0x1];
	p0 =	sne.s32 s2, $0x0  }
0xe9: {  	s3 =	rddreg [dreg:$0x2];
	[bflag:$0x3] =	sbarrier.arrive $0xFFFF;
	s2 =	simm.s32 @!p0 $0x1C05  }
0xea: {  	[timem:s3], [sflag:s2] =	dma.local @!p0 [hbm:s0], s1  }
0xeb: {  	s0 =	simm.s32 @!p0 $0x5  }
0xec: {  	_ =	swait.ge @!p0 [sflag:s0], s1  }
0xed: {  	s1 =	ssub.s32 @!p0 $0x0, s1;
	[sflag:s0] =	ssyncset.done @!p0 $0x0  }
0xee: {  	[sflag:s0] =	ssyncadd.s32 @!p0 s1  }
0xef: {  	[bflag:$0x3] =	sbarrier.arrive $0xFFFF  }
0xf0: {  	_ =	shalt  }

</sc_bundles>
